<compile_context>
chip_gen: v7x
topology: tpu7x:2x2x1
jax: 0.10.2.dev20260603
libtpu: 0.0.44.dev20260713+nightly
codegen_flags: <defaults>
</compile_context>

<pallas_src>
import functools

import jax
import jax.numpy as jnp
from jax import lax
from jax.experimental import pallas as pl
from jax.experimental.pallas import tpu as pltpu
from jax.experimental.pallas import tpu_sc as plsc

BATCH = 1024
HIST = 200
FEAT = 128
VOCAB = 1000

NC, NS, L = 2, 16, 16
NW = NC * NS
TOT = BATCH * HIST
BPW = TOT // NW
CH = 128
NCH = BPW // CH
NBUF = 5
LAG = 2
VSP = VOCAB + 8

_mesh = plsc.VectorSubcoreMesh(
    core_axis_name="c", subcore_axis_name="s", num_cores=NC, num_subcores=NS
)


@functools.partial(
    pl.kernel,
    out_type=jax.ShapeDtypeStruct((TOT, FEAT), jnp.float32),
    mesh=_mesh,
    scratch_types=[
        pltpu.VMEM((BPW,), jnp.int32),
        pltpu.VMEM((NBUF, CH, FEAT), jnp.float32),
        pltpu.VMEM_SHARED((VSP, FEAT), jnp.float32),
        [pltpu.SemaphoreType.DMA] * NBUF,
        [pltpu.SemaphoreType.DMA] * NBUF,
    ],
)
def _span_gather(idx_hbm, table_hbm, out_hbm, idx_v, bufs, table_sp, gsem, ssem):
    wid = lax.axis_index("s") * NC + lax.axis_index("c")
    sid = lax.axis_index("s")
    base = wid * BPW

    for t in range(NS):
        rows = 64 if t < NS - 1 else VOCAB - 64 * (NS - 1)

        @pl.when(sid == t)
        def _stage(t=t, rows=rows):
            pltpu.sync_copy(
                table_hbm.at[pl.ds(64 * t, rows)],
                table_sp.at[pl.ds(1 + 64 * t, rows)],
            )

    pltpu.sync_copy(idx_hbm.at[wid], idx_v)

    plsc.subcore_barrier()

    def issue_gather(c, slot):
        idx_slice = idx_v.at[pl.ds(c * CH, CH)]
        pltpu.async_copy(table_sp.at[idx_slice], bufs.at[slot], gsem[slot])

    def wait_gather(slot):
        pltpu.make_async_copy(
            table_hbm.at[pl.ds(0, CH)], bufs.at[slot], gsem[slot]
        ).wait()

    def issue_scatter(c, slot):
        pltpu.async_copy(bufs.at[slot], out_hbm.at[pl.ds(base + c * CH, CH)], ssem[slot])

    def wait_scatter(slot):
        pltpu.make_async_copy(
            bufs.at[slot], out_hbm.at[pl.ds(base, CH)], ssem[slot]
        ).wait()

    for b in range(NBUF):
        issue_gather(b, b)
        if b >= LAG:
            wait_gather(b - LAG)
            issue_scatter(b - LAG, b - LAG)

    ROUNDS = (NCH - 2 * NBUF) // NBUF
    @pl.loop(0, ROUNDS)
    def _round(i):
        for b in range(NBUF):
            c = NBUF + i * NBUF + b
            wait_scatter(b)
            issue_gather(c, b)
            pb = (b - LAG) % NBUF
            wait_gather(pb)
            issue_scatter(c - LAG, pb)

    for c in range(NBUF + ROUNDS * NBUF, NCH):
        b = c % NBUF
        wait_scatter(b)
        issue_gather(c, b)
        pb = (c - LAG) % NBUF
        wait_gather(pb)
        issue_scatter(c - LAG, pb)

    for c in range(NCH - LAG, NCH):
        slot = c % NBUF
        wait_gather(slot)
        issue_scatter(c, slot)
    for c in range(NCH - NBUF, NCH):
        wait_scatter(c % NBUF)


def kernel(span_width, span_width_embeddings):
    idx = span_width.reshape(NW, BPW)
    out = _span_gather(idx, span_width_embeddings)
    return out.reshape(BATCH, HIST, FEAT)

# --- scband reference (transcript-rebuilt; emitter-appended) ---
"""Pipeline reference for scband-span-embedding-module-14955076125128 (READ-ONLY COPY).

The authoritative reference and input builder live on the scoring server;
editing this copy changes nothing except your own understanding.
"""

import jax, jax.numpy as jnp
import numpy as np

MAX_SPAN_WIDTH = 1000
FEATURE_SIZE = 128
BATCH = 1024
HIST = 200

def setup_inputs(seed: int = 0) -> dict:
    key = jax.random.key(seed)
    k1, k2 = jax.random.split(key)
    # span widths are 1-indexed in the original module (span_width - 1 is the row index),
    # so draw values in [1, MAX_SPAN_WIDTH] to keep indices in range.
    span_width = jax.random.randint(k1, (BATCH, HIST), 1, MAX_SPAN_WIDTH + 1, dtype=jnp.int32)
    span_width_embeddings = jax.random.normal(k2, (MAX_SPAN_WIDTH, FEATURE_SIZE), dtype=jnp.float32) * 0.02
    return {"span_width": span_width, "span_width_embeddings": span_width_embeddings}

def reference(span_width, span_width_embeddings):
    # Faithful translation of SpanEmbeddingModule.forward (eval mode: dropout is identity).
    span_width_index = span_width - 1
    span_width_emb = jnp.take(span_width_embeddings, span_width_index, axis=0)
    return span_width_emb

if __name__ == "__main__":
    import jax
    _d = setup_inputs()
    print(jax.jit(kernel)(*tuple(_d.values())))

</pallas_src>

<mosaic_0001>
#map = affine_map<(d0, d1) -> (0, 0)>
module attributes {stable_mosaic.version = 14 : i64} {
  func.func @_span_gather(%arg0: i32, %arg1: i32, %arg2: memref<32x6400xi32, #tpu.memory_space<hbm>>, %arg3: memref<1000x128xf32, #tpu.memory_space<hbm>>, %arg4: memref<204800x128xf32, #tpu.memory_space<hbm>>, %arg5: memref<6400xi32, #tpu.memory_space<vmem>>, %arg6: memref<5x128x128xf32, #tpu.memory_space<vmem>>, %arg7: memref<1008x128xf32, #tpu.memory_space<vmem_shared>>, %arg8: memref<!tpu.dma_semaphore, #tpu.memory_space<semaphore_mem>>, %arg9: memref<!tpu.dma_semaphore, #tpu.memory_space<semaphore_mem>>, %arg10: memref<!tpu.dma_semaphore, #tpu.memory_space<semaphore_mem>>, %arg11: memref<!tpu.dma_semaphore, #tpu.memory_space<semaphore_mem>>, %arg12: memref<!tpu.dma_semaphore, #tpu.memory_space<semaphore_mem>>, %arg13: memref<!tpu.dma_semaphore, #tpu.memory_space<semaphore_mem>>, %arg14: memref<!tpu.dma_semaphore, #tpu.memory_space<semaphore_mem>>, %arg15: memref<!tpu.dma_semaphore, #tpu.memory_space<semaphore_mem>>, %arg16: memref<!tpu.dma_semaphore, #tpu.memory_space<semaphore_mem>>, %arg17: memref<!tpu.dma_semaphore, #tpu.memory_space<semaphore_mem>>) attributes {dimension_semantics = [#tpu.dimension_semantics<core_parallel>, #tpu.dimension_semantics<subcore_parallel>], iteration_bounds = array<i64: 2, 16>, scalar_prefetch = 0 : i64, scratch_operands = 13 : i64, tpu.core_type = #tpu.core_type<sc_vector_subcore>, window_params = [{transform_indices = #map}, {transform_indices = #map}, {transform_indices = #map}]} {
    %mul3A = arith.constant 2 : i32
    %mul3A_0 = arith.muli %arg1, %mul3A : i32
    %add3A = arith.addi %mul3A_0, %arg0 : i32
    %mul3A_1 = arith.constant 6400 : i32
    %mul3A_2 = arith.muli %add3A, %mul3A_1 : i32
    %eq3A = arith.constant 0 : i32
    %eq3A_3 = arith.cmpi eq, %arg1, %eq3A : i32
    %convert_element_type3A = arith.extui %eq3A_3 : i1 to i32
    %cond3A = arith.constant 0 : i32
    %cond3A_4 = arith.cmpi ne, %convert_element_type3A, %cond3A : i32
    scf.if %cond3A_4 {
      "tpu.region"() ({
        %run_scoped3A = tpu.sem_alloc : memref<!tpu.dma_semaphore, #tpu.memory_space<semaphore_mem>>
        %dma_start3A_612 = arith.constant 1 : i32
        %dma_start3A_613 = arith.constant 0 : i32
        %dma_start3A_614 = tpu.memref_slice %arg7[%dma_start3A_612, %dma_start3A_613] : memref<1008x128xf32, #tpu.memory_space<vmem_shared>> -> memref<64x128xf32, #tpu.memory_space<vmem_shared>>
        %dma_start3A_615 = arith.constant 0 : i32
        %dma_start3A_616 = arith.constant 0 : i32
        %dma_start3A_617 = tpu.memref_slice %arg3[%dma_start3A_615, %dma_start3A_616] : memref<1000x128xf32, #tpu.memory_space<hbm>> -> memref<64x128xf32, #tpu.memory_space<hbm>>
        tpu.enqueue_dma source(%dma_start3A_617 : memref<64x128xf32, #tpu.memory_space<hbm>>) target(%dma_start3A_614 : memref<64x128xf32, #tpu.memory_space<vmem_shared>>) target_semaphore(%run_scoped3A : memref<!tpu.dma_semaphore, #tpu.memory_space<semaphore_mem>>)
        %dma_wait3A_618 = arith.constant 1 : i32
        %dma_wait3A_619 = arith.constant 0 : i32
        %dma_wait3A_620 = tpu.memref_slice %arg7[%dma_wait3A_618, %dma_wait3A_619] : memref<1008x128xf32, #tpu.memory_space<vmem_shared>> -> memref<64x128xf32, #tpu.memory_space<vmem_shared>>
        %dma_wait3A_621 = arith.constant 0 : i32
        %dma_wait3A_622 = arith.constant 0 : i32
        %dma_wait3A_623 = tpu.memref_slice %arg3[%dma_wait3A_621, %dma_wait3A_622] : memref<1000x128xf32, #tpu.memory_space<hbm>> -> memref<64x128xf32, #tpu.memory_space<hbm>>
        tpu.wait_dma2 semaphore(%run_scoped3A : memref<!tpu.dma_semaphore, #tpu.memory_space<semaphore_mem>>) src(%dma_wait3A_623 : memref<64x128xf32, #tpu.memory_space<hbm>>) dst(%dma_wait3A_620 : memref<64x128xf32, #tpu.memory_space<vmem_shared>>)
        tpu.yield
      }) : () -> ()
    } else {
    }
    %eq3A_5 = arith.constant 1 : i32
    %eq3A_6 = arith.cmpi eq, %arg1, %eq3A_5 : i32
    %convert_element_type3A_7 = arith.extui %eq3A_6 : i1 to i32
    %cond3A_8 = arith.constant 0 : i32
    %cond3A_9 = arith.cmpi ne, %convert_element_type3A_7, %cond3A_8 : i32
    scf.if %cond3A_9 {
      "tpu.region"() ({
        %run_scoped3A = tpu.sem_alloc : memref<!tpu.dma_semaphore, #tpu.memory_space<semaphore_mem>>
        %dma_start3A_612 = arith.constant 65 : i32
        %dma_start3A_613 = arith.constant 0 : i32
        %dma_start3A_614 = tpu.memref_slice %arg7[%dma_start3A_612, %dma_start3A_613] : memref<1008x128xf32, #tpu.memory_space<vmem_shared>> -> memref<64x128xf32, #tpu.memory_space<vmem_shared>>
        %dma_start3A_615 = arith.constant 64 : i32
        %dma_start3A_616 = arith.constant 0 : i32
        %dma_start3A_617 = tpu.memref_slice %arg3[%dma_start3A_615, %dma_start3A_616] : memref<1000x128xf32, #tpu.memory_space<hbm>> -> memref<64x128xf32, #tpu.memory_space<hbm>>
        tpu.enqueue_dma source(%dma_start3A_617 : memref<64x128xf32, #tpu.memory_space<hbm>>) target(%dma_start3A_614 : memref<64x128xf32, #tpu.memory_space<vmem_shared>>) target_semaphore(%run_scoped3A : memref<!tpu.dma_semaphore, #tpu.memory_space<semaphore_mem>>)
        %dma_wait3A_618 = arith.constant 65 : i32
        %dma_wait3A_619 = arith.constant 0 : i32
        %dma_wait3A_620 = tpu.memref_slice %arg7[%dma_wait3A_618, %dma_wait3A_619] : memref<1008x128xf32, #tpu.memory_space<vmem_shared>> -> memref<64x128xf32, #tpu.memory_space<vmem_shared>>
        %dma_wait3A_621 = arith.constant 64 : i32
        %dma_wait3A_622 = arith.constant 0 : i32
        %dma_wait3A_623 = tpu.memref_slice %arg3[%dma_wait3A_621, %dma_wait3A_622] : memref<1000x128xf32, #tpu.memory_space<hbm>> -> memref<64x128xf32, #tpu.memory_space<hbm>>
        tpu.wait_dma2 semaphore(%run_scoped3A : memref<!tpu.dma_semaphore, #tpu.memory_space<semaphore_mem>>) src(%dma_wait3A_623 : memref<64x128xf32, #tpu.memory_space<hbm>>) dst(%dma_wait3A_620 : memref<64x128xf32, #tpu.memory_space<vmem_shared>>)
        tpu.yield
      }) : () -> ()
    } else {
    }
    %eq3A_10 = arith.constant 2 : i32
    %eq3A_11 = arith.cmpi eq, %arg1, %eq3A_10 : i32
    %convert_element_type3A_12 = arith.extui %eq3A_11 : i1 to i32
    %cond3A_13 = arith.constant 0 : i32
    %cond3A_14 = arith.cmpi ne, %convert_element_type3A_12, %cond3A_13 : i32
    scf.if %cond3A_14 {
      "tpu.region"() ({
        %run_scoped3A = tpu.sem_alloc : memref<!tpu.dma_semaphore, #tpu.memory_space<semaphore_mem>>
        %dma_start3A_612 = arith.constant 129 : i32
        %dma_start3A_613 = arith.constant 0 : i32
        %dma_start3A_614 = tpu.memref_slice %arg7[%dma_start3A_612, %dma_start3A_613] : memref<1008x128xf32, #tpu.memory_space<vmem_shared>> -> memref<64x128xf32, #tpu.memory_space<vmem_shared>>
        %dma_start3A_615 = arith.constant 128 : i32
        %dma_start3A_616 = arith.constant 0 : i32
        %dma_start3A_617 = tpu.memref_slice %arg3[%dma_start3A_615, %dma_start3A_616] : memref<1000x128xf32, #tpu.memory_space<hbm>> -> memref<64x128xf32, #tpu.memory_space<hbm>>
        tpu.enqueue_dma source(%dma_start3A_617 : memref<64x128xf32, #tpu.memory_space<hbm>>) target(%dma_start3A_614 : memref<64x128xf32, #tpu.memory_space<vmem_shared>>) target_semaphore(%run_scoped3A : memref<!tpu.dma_semaphore, #tpu.memory_space<semaphore_mem>>)
        %dma_wait3A_618 = arith.constant 129 : i32
        %dma_wait3A_619 = arith.constant 0 : i32
        %dma_wait3A_620 = tpu.memref_slice %arg7[%dma_wait3A_618, %dma_wait3A_619] : memref<1008x128xf32, #tpu.memory_space<vmem_shared>> -> memref<64x128xf32, #tpu.memory_space<vmem_shared>>
        %dma_wait3A_621 = arith.constant 128 : i32
        %dma_wait3A_622 = arith.constant 0 : i32
        %dma_wait3A_623 = tpu.memref_slice %arg3[%dma_wait3A_621, %dma_wait3A_622] : memref<1000x128xf32, #tpu.memory_space<hbm>> -> memref<64x128xf32, #tpu.memory_space<hbm>>
        tpu.wait_dma2 semaphore(%run_scoped3A : memref<!tpu.dma_semaphore, #tpu.memory_space<semaphore_mem>>) src(%dma_wait3A_623 : memref<64x128xf32, #tpu.memory_space<hbm>>) dst(%dma_wait3A_620 : memref<64x128xf32, #tpu.memory_space<vmem_shared>>)
        tpu.yield
      }) : () -> ()
    } else {
    }
    %eq3A_15 = arith.constant 3 : i32
    %eq3A_16 = arith.cmpi eq, %arg1, %eq3A_15 : i32
    %convert_element_type3A_17 = arith.extui %eq3A_16 : i1 to i32
    %cond3A_18 = arith.constant 0 : i32
    %cond3A_19 = arith.cmpi ne, %convert_element_type3A_17, %cond3A_18 : i32
    scf.if %cond3A_19 {
      "tpu.region"() ({
        %run_scoped3A = tpu.sem_alloc : memref<!tpu.dma_semaphore, #tpu.memory_space<semaphore_mem>>
        %dma_start3A_612 = arith.constant 193 : i32
        %dma_start3A_613 = arith.constant 0 : i32
        %dma_start3A_614 = tpu.memref_slice %arg7[%dma_start3A_612, %dma_start3A_613] : memref<1008x128xf32, #tpu.memory_space<vmem_shared>> -> memref<64x128xf32, #tpu.memory_space<vmem_shared>>
        %dma_start3A_615 = arith.constant 192 : i32
        %dma_start3A_616 = arith.constant 0 : i32
        %dma_start3A_617 = tpu.memref_slice %arg3[%dma_start3A_615, %dma_start3A_616] : memref<1000x128xf32, #tpu.memory_space<hbm>> -> memref<64x128xf32, #tpu.memory_space<hbm>>
        tpu.enqueue_dma source(%dma_start3A_617 : memref<64x128xf32, #tpu.memory_space<hbm>>) target(%dma_start3A_614 : memref<64x128xf32, #tpu.memory_space<vmem_shared>>) target_semaphore(%run_scoped3A : memref<!tpu.dma_semaphore, #tpu.memory_space<semaphore_mem>>)
        %dma_wait3A_618 = arith.constant 193 : i32
        %dma_wait3A_619 = arith.constant 0 : i32
        %dma_wait3A_620 = tpu.memref_slice %arg7[%dma_wait3A_618, %dma_wait3A_619] : memref<1008x128xf32, #tpu.memory_space<vmem_shared>> -> memref<64x128xf32, #tpu.memory_space<vmem_shared>>
        %dma_wait3A_621 = arith.constant 192 : i32
        %dma_wait3A_622 = arith.constant 0 : i32
        %dma_wait3A_623 = tpu.memref_slice %arg3[%dma_wait3A_621, %dma_wait3A_622] : memref<1000x128xf32, #tpu.memory_space<hbm>> -> memref<64x128xf32, #tpu.memory_space<hbm>>
        tpu.wait_dma2 semaphore(%run_scoped3A : memref<!tpu.dma_semaphore, #tpu.memory_space<semaphore_mem>>) src(%dma_wait3A_623 : memref<64x128xf32, #tpu.memory_space<hbm>>) dst(%dma_wait3A_620 : memref<64x128xf32, #tpu.memory_space<vmem_shared>>)
        tpu.yield
      }) : () -> ()
    } else {
    }
    %eq3A_20 = arith.constant 4 : i32
    %eq3A_21 = arith.cmpi eq, %arg1, %eq3A_20 : i32
    %convert_element_type3A_22 = arith.extui %eq3A_21 : i1 to i32
    %cond3A_23 = arith.constant 0 : i32
    %cond3A_24 = arith.cmpi ne, %convert_element_type3A_22, %cond3A_23 : i32
    scf.if %cond3A_24 {
      "tpu.region"() ({
        %run_scoped3A = tpu.sem_alloc : memref<!tpu.dma_semaphore, #tpu.memory_space<semaphore_mem>>
        %dma_start3A_612 = arith.constant 257 : i32
        %dma_start3A_613 = arith.constant 0 : i32
        %dma_start3A_614 = tpu.memref_slice %arg7[%dma_start3A_612, %dma_start3A_613] : memref<1008x128xf32, #tpu.memory_space<vmem_shared>> -> memref<64x128xf32, #tpu.memory_space<vmem_shared>>
        %dma_start3A_615 = arith.constant 256 : i32
        %dma_start3A_616 = arith.constant 0 : i32
        %dma_start3A_617 = tpu.memref_slice %arg3[%dma_start3A_615, %dma_start3A_616] : memref<1000x128xf32, #tpu.memory_space<hbm>> -> memref<64x128xf32, #tpu.memory_space<hbm>>
        tpu.enqueue_dma source(%dma_start3A_617 : memref<64x128xf32, #tpu.memory_space<hbm>>) target(%dma_start3A_614 : memref<64x128xf32, #tpu.memory_space<vmem_shared>>) target_semaphore(%run_scoped3A : memref<!tpu.dma_semaphore, #tpu.memory_space<semaphore_mem>>)
        %dma_wait3A_618 = arith.constant 257 : i32
        %dma_wait3A_619 = arith.constant 0 : i32
        %dma_wait3A_620 = tpu.memref_slice %arg7[%dma_wait3A_618, %dma_wait3A_619] : memref<1008x128xf32, #tpu.memory_space<vmem_shared>> -> memref<64x128xf32, #tpu.memory_space<vmem_shared>>
        %dma_wait3A_621 = arith.constant 256 : i32
        %dma_wait3A_622 = arith.constant 0 : i32
        %dma_wait3A_623 = tpu.memref_slice %arg3[%dma_wait3A_621, %dma_wait3A_622] : memref<1000x128xf32, #tpu.memory_space<hbm>> -> memref<64x128xf32, #tpu.memory_space<hbm>>
        tpu.wait_dma2 semaphore(%run_scoped3A : memref<!tpu.dma_semaphore, #tpu.memory_space<semaphore_mem>>) src(%dma_wait3A_623 : memref<64x128xf32, #tpu.memory_space<hbm>>) dst(%dma_wait3A_620 : memref<64x128xf32, #tpu.memory_space<vmem_shared>>)
        tpu.yield
      }) : () -> ()
    } else {
    }
    %eq3A_25 = arith.constant 5 : i32
    %eq3A_26 = arith.cmpi eq, %arg1, %eq3A_25 : i32
    %convert_element_type3A_27 = arith.extui %eq3A_26 : i1 to i32
    %cond3A_28 = arith.constant 0 : i32
    %cond3A_29 = arith.cmpi ne, %convert_element_type3A_27, %cond3A_28 : i32
    scf.if %cond3A_29 {
      "tpu.region"() ({
        %run_scoped3A = tpu.sem_alloc : memref<!tpu.dma_semaphore, #tpu.memory_space<semaphore_mem>>
        %dma_start3A_612 = arith.constant 321 : i32
        %dma_start3A_613 = arith.constant 0 : i32
        %dma_start3A_614 = tpu.memref_slice %arg7[%dma_start3A_612, %dma_start3A_613] : memref<1008x128xf32, #tpu.memory_space<vmem_shared>> -> memref<64x128xf32, #tpu.memory_space<vmem_shared>>
        %dma_start3A_615 = arith.constant 320 : i32
        %dma_start3A_616 = arith.constant 0 : i32
        %dma_start3A_617 = tpu.memref_slice %arg3[%dma_start3A_615, %dma_start3A_616] : memref<1000x128xf32, #tpu.memory_space<hbm>> -> memref<64x128xf32, #tpu.memory_space<hbm>>
        tpu.enqueue_dma source(%dma_start3A_617 : memref<64x128xf32, #tpu.memory_space<hbm>>) target(%dma_start3A_614 : memref<64x128xf32, #tpu.memory_space<vmem_shared>>) target_semaphore(%run_scoped3A : memref<!tpu.dma_semaphore, #tpu.memory_space<semaphore_mem>>)
        %dma_wait3A_618 = arith.constant 321 : i32
        %dma_wait3A_619 = arith.constant 0 : i32
        %dma_wait3A_620 = tpu.memref_slice %arg7[%dma_wait3A_618, %dma_wait3A_619] : memref<1008x128xf32, #tpu.memory_space<vmem_shared>> -> memref<64x128xf32, #tpu.memory_space<vmem_shared>>
        %dma_wait3A_621 = arith.constant 320 : i32
        %dma_wait3A_622 = arith.constant 0 : i32
        %dma_wait3A_623 = tpu.memref_slice %arg3[%dma_wait3A_621, %dma_wait3A_622] : memref<1000x128xf32, #tpu.memory_space<hbm>> -> memref<64x128xf32, #tpu.memory_space<hbm>>
        tpu.wait_dma2 semaphore(%run_scoped3A : memref<!tpu.dma_semaphore, #tpu.memory_space<semaphore_mem>>) src(%dma_wait3A_623 : memref<64x128xf32, #tpu.memory_space<hbm>>) dst(%dma_wait3A_620 : memref<64x128xf32, #tpu.memory_space<vmem_shared>>)
        tpu.yield
      }) : () -> ()
    } else {
    }
    %eq3A_30 = arith.constant 6 : i32
    %eq3A_31 = arith.cmpi eq, %arg1, %eq3A_30 : i32
    %convert_element_type3A_32 = arith.extui %eq3A_31 : i1 to i32
    %cond3A_33 = arith.constant 0 : i32
    %cond3A_34 = arith.cmpi ne, %convert_element_type3A_32, %cond3A_33 : i32
    scf.if %cond3A_34 {
      "tpu.region"() ({
        %run_scoped3A = tpu.sem_alloc : memref<!tpu.dma_semaphore, #tpu.memory_space<semaphore_mem>>
        %dma_start3A_612 = arith.constant 385 : i32
        %dma_start3A_613 = arith.constant 0 : i32
        %dma_start3A_614 = tpu.memref_slice %arg7[%dma_start3A_612, %dma_start3A_613] : memref<1008x128xf32, #tpu.memory_space<vmem_shared>> -> memref<64x128xf32, #tpu.memory_space<vmem_shared>>
        %dma_start3A_615 = arith.constant 384 : i32
        %dma_start3A_616 = arith.constant 0 : i32
        %dma_start3A_617 = tpu.memref_slice %arg3[%dma_start3A_615, %dma_start3A_616] : memref<1000x128xf32, #tpu.memory_space<hbm>> -> memref<64x128xf32, #tpu.memory_space<hbm>>
        tpu.enqueue_dma source(%dma_start3A_617 : memref<64x128xf32, #tpu.memory_space<hbm>>) target(%dma_start3A_614 : memref<64x128xf32, #tpu.memory_space<vmem_shared>>) target_semaphore(%run_scoped3A : memref<!tpu.dma_semaphore, #tpu.memory_space<semaphore_mem>>)
        %dma_wait3A_618 = arith.constant 385 : i32
        %dma_wait3A_619 = arith.constant 0 : i32
        %dma_wait3A_620 = tpu.memref_slice %arg7[%dma_wait3A_618, %dma_wait3A_619] : memref<1008x128xf32, #tpu.memory_space<vmem_shared>> -> memref<64x128xf32, #tpu.memory_space<vmem_shared>>
        %dma_wait3A_621 = arith.constant 384 : i32
        %dma_wait3A_622 = arith.constant 0 : i32
        %dma_wait3A_623 = tpu.memref_slice %arg3[%dma_wait3A_621, %dma_wait3A_622] : memref<1000x128xf32, #tpu.memory_space<hbm>> -> memref<64x128xf32, #tpu.memory_space<hbm>>
        tpu.wait_dma2 semaphore(%run_scoped3A : memref<!tpu.dma_semaphore, #tpu.memory_space<semaphore_mem>>) src(%dma_wait3A_623 : memref<64x128xf32, #tpu.memory_space<hbm>>) dst(%dma_wait3A_620 : memref<64x128xf32, #tpu.memory_space<vmem_shared>>)
        tpu.yield
      }) : () -> ()
    } else {
    }
    %eq3A_35 = arith.constant 7 : i32
    %eq3A_36 = arith.cmpi eq, %arg1, %eq3A_35 : i32
    %convert_element_type3A_37 = arith.extui %eq3A_36 : i1 to i32
    %cond3A_38 = arith.constant 0 : i32
    %cond3A_39 = arith.cmpi ne, %convert_element_type3A_37, %cond3A_38 : i32
    scf.if %cond3A_39 {
      "tpu.region"() ({
        %run_scoped3A = tpu.sem_alloc : memref<!tpu.dma_semaphore, #tpu.memory_space<semaphore_mem>>
        %dma_start3A_612 = arith.constant 449 : i32
        %dma_start3A_613 = arith.constant 0 : i32
        %dma_start3A_614 = tpu.memref_slice %arg7[%dma_start3A_612, %dma_start3A_613] : memref<1008x128xf32, #tpu.memory_space<vmem_shared>> -> memref<64x128xf32, #tpu.memory_space<vmem_shared>>
        %dma_start3A_615 = arith.constant 448 : i32
        %dma_start3A_616 = arith.constant 0 : i32
        %dma_start3A_617 = tpu.memref_slice %arg3[%dma_start3A_615, %dma_start3A_616] : memref<1000x128xf32, #tpu.memory_space<hbm>> -> memref<64x128xf32, #tpu.memory_space<hbm>>
        tpu.enqueue_dma source(%dma_start3A_617 : memref<64x128xf32, #tpu.memory_space<hbm>>) target(%dma_start3A_614 : memref<64x128xf32, #tpu.memory_space<vmem_shared>>) target_semaphore(%run_scoped3A : memref<!tpu.dma_semaphore, #tpu.memory_space<semaphore_mem>>)
        %dma_wait3A_618 = arith.constant 449 : i32
        %dma_wait3A_619 = arith.constant 0 : i32
        %dma_wait3A_620 = tpu.memref_slice %arg7[%dma_wait3A_618, %dma_wait3A_619] : memref<1008x128xf32, #tpu.memory_space<vmem_shared>> -> memref<64x128xf32, #tpu.memory_space<vmem_shared>>
        %dma_wait3A_621 = arith.constant 448 : i32
        %dma_wait3A_622 = arith.constant 0 : i32
        %dma_wait3A_623 = tpu.memref_slice %arg3[%dma_wait3A_621, %dma_wait3A_622] : memref<1000x128xf32, #tpu.memory_space<hbm>> -> memref<64x128xf32, #tpu.memory_space<hbm>>
        tpu.wait_dma2 semaphore(%run_scoped3A : memref<!tpu.dma_semaphore, #tpu.memory_space<semaphore_mem>>) src(%dma_wait3A_623 : memref<64x128xf32, #tpu.memory_space<hbm>>) dst(%dma_wait3A_620 : memref<64x128xf32, #tpu.memory_space<vmem_shared>>)
        tpu.yield
      }) : () -> ()
    } else {
    }
    %eq3A_40 = arith.constant 8 : i32
    %eq3A_41 = arith.cmpi eq, %arg1, %eq3A_40 : i32
    %convert_element_type3A_42 = arith.extui %eq3A_41 : i1 to i32
    %cond3A_43 = arith.constant 0 : i32
    %cond3A_44 = arith.cmpi ne, %convert_element_type3A_42, %cond3A_43 : i32
    scf.if %cond3A_44 {
      "tpu.region"() ({
        %run_scoped3A = tpu.sem_alloc : memref<!tpu.dma_semaphore, #tpu.memory_space<semaphore_mem>>
        %dma_start3A_612 = arith.constant 513 : i32
        %dma_start3A_613 = arith.constant 0 : i32
        %dma_start3A_614 = tpu.memref_slice %arg7[%dma_start3A_612, %dma_start3A_613] : memref<1008x128xf32, #tpu.memory_space<vmem_shared>> -> memref<64x128xf32, #tpu.memory_space<vmem_shared>>
        %dma_start3A_615 = arith.constant 512 : i32
        %dma_start3A_616 = arith.constant 0 : i32
        %dma_start3A_617 = tpu.memref_slice %arg3[%dma_start3A_615, %dma_start3A_616] : memref<1000x128xf32, #tpu.memory_space<hbm>> -> memref<64x128xf32, #tpu.memory_space<hbm>>
        tpu.enqueue_dma source(%dma_start3A_617 : memref<64x128xf32, #tpu.memory_space<hbm>>) target(%dma_start3A_614 : memref<64x128xf32, #tpu.memory_space<vmem_shared>>) target_semaphore(%run_scoped3A : memref<!tpu.dma_semaphore, #tpu.memory_space<semaphore_mem>>)
        %dma_wait3A_618 = arith.constant 513 : i32
        %dma_wait3A_619 = arith.constant 0 : i32
        %dma_wait3A_620 = tpu.memref_slice %arg7[%dma_wait3A_618, %dma_wait3A_619] : memref<1008x128xf32, #tpu.memory_space<vmem_shared>> -> memref<64x128xf32, #tpu.memory_space<vmem_shared>>
        %dma_wait3A_621 = arith.constant 512 : i32
        %dma_wait3A_622 = arith.constant 0 : i32
        %dma_wait3A_623 = tpu.memref_slice %arg3[%dma_wait3A_621, %dma_wait3A_622] : memref<1000x128xf32, #tpu.memory_space<hbm>> -> memref<64x128xf32, #tpu.memory_space<hbm>>
        tpu.wait_dma2 semaphore(%run_scoped3A : memref<!tpu.dma_semaphore, #tpu.memory_space<semaphore_mem>>) src(%dma_wait3A_623 : memref<64x128xf32, #tpu.memory_space<hbm>>) dst(%dma_wait3A_620 : memref<64x128xf32, #tpu.memory_space<vmem_shared>>)
        tpu.yield
      }) : () -> ()
    } else {
    }
    %eq3A_45 = arith.constant 9 : i32
    %eq3A_46 = arith.cmpi eq, %arg1, %eq3A_45 : i32
    %convert_element_type3A_47 = arith.extui %eq3A_46 : i1 to i32
    %cond3A_48 = arith.constant 0 : i32
    %cond3A_49 = arith.cmpi ne, %convert_element_type3A_47, %cond3A_48 : i32
    scf.if %cond3A_49 {
      "tpu.region"() ({
        %run_scoped3A = tpu.sem_alloc : memref<!tpu.dma_semaphore, #tpu.memory_space<semaphore_mem>>
        %dma_start3A_612 = arith.constant 577 : i32
        %dma_start3A_613 = arith.constant 0 : i32
        %dma_start3A_614 = tpu.memref_slice %arg7[%dma_start3A_612, %dma_start3A_613] : memref<1008x128xf32, #tpu.memory_space<vmem_shared>> -> memref<64x128xf32, #tpu.memory_space<vmem_shared>>
        %dma_start3A_615 = arith.constant 576 : i32
        %dma_start3A_616 = arith.constant 0 : i32
        %dma_start3A_617 = tpu.memref_slice %arg3[%dma_start3A_615, %dma_start3A_616] : memref<1000x128xf32, #tpu.memory_space<hbm>> -> memref<64x128xf32, #tpu.memory_space<hbm>>
        tpu.enqueue_dma source(%dma_start3A_617 : memref<64x128xf32, #tpu.memory_space<hbm>>) target(%dma_start3A_614 : memref<64x128xf32, #tpu.memory_space<vmem_shared>>) target_semaphore(%run_scoped3A : memref<!tpu.dma_semaphore, #tpu.memory_space<semaphore_mem>>)
        %dma_wait3A_618 = arith.constant 577 : i32
        %dma_wait3A_619 = arith.constant 0 : i32
        %dma_wait3A_620 = tpu.memref_slice %arg7[%dma_wait3A_618, %dma_wait3A_619] : memref<1008x128xf32, #tpu.memory_space<vmem_shared>> -> memref<64x128xf32, #tpu.memory_space<vmem_shared>>
        %dma_wait3A_621 = arith.constant 576 : i32
        %dma_wait3A_622 = arith.constant 0 : i32
        %dma_wait3A_623 = tpu.memref_slice %arg3[%dma_wait3A_621, %dma_wait3A_622] : memref<1000x128xf32, #tpu.memory_space<hbm>> -> memref<64x128xf32, #tpu.memory_space<hbm>>
        tpu.wait_dma2 semaphore(%run_scoped3A : memref<!tpu.dma_semaphore, #tpu.memory_space<semaphore_mem>>) src(%dma_wait3A_623 : memref<64x128xf32, #tpu.memory_space<hbm>>) dst(%dma_wait3A_620 : memref<64x128xf32, #tpu.memory_space<vmem_shared>>)
        tpu.yield
      }) : () -> ()
    } else {
    }
    %eq3A_50 = arith.constant 10 : i32
    %eq3A_51 = arith.cmpi eq, %arg1, %eq3A_50 : i32
    %convert_element_type3A_52 = arith.extui %eq3A_51 : i1 to i32
    %cond3A_53 = arith.constant 0 : i32
    %cond3A_54 = arith.cmpi ne, %convert_element_type3A_52, %cond3A_53 : i32
    scf.if %cond3A_54 {
      "tpu.region"() ({
        %run_scoped3A = tpu.sem_alloc : memref<!tpu.dma_semaphore, #tpu.memory_space<semaphore_mem>>
        %dma_start3A_612 = arith.constant 641 : i32
        %dma_start3A_613 = arith.constant 0 : i32
        %dma_start3A_614 = tpu.memref_slice %arg7[%dma_start3A_612, %dma_start3A_613] : memref<1008x128xf32, #tpu.memory_space<vmem_shared>> -> memref<64x128xf32, #tpu.memory_space<vmem_shared>>
        %dma_start3A_615 = arith.constant 640 : i32
        %dma_start3A_616 = arith.constant 0 : i32
        %dma_start3A_617 = tpu.memref_slice %arg3[%dma_start3A_615, %dma_start3A_616] : memref<1000x128xf32, #tpu.memory_space<hbm>> -> memref<64x128xf32, #tpu.memory_space<hbm>>
        tpu.enqueue_dma source(%dma_start3A_617 : memref<64x128xf32, #tpu.memory_space<hbm>>) target(%dma_start3A_614 : memref<64x128xf32, #tpu.memory_space<vmem_shared>>) target_semaphore(%run_scoped3A : memref<!tpu.dma_semaphore, #tpu.memory_space<semaphore_mem>>)
        %dma_wait3A_618 = arith.constant 641 : i32
        %dma_wait3A_619 = arith.constant 0 : i32
        %dma_wait3A_620 = tpu.memref_slice %arg7[%dma_wait3A_618, %dma_wait3A_619] : memref<1008x128xf32, #tpu.memory_space<vmem_shared>> -> memref<64x128xf32, #tpu.memory_space<vmem_shared>>
        %dma_wait3A_621 = arith.constant 640 : i32
        %dma_wait3A_622 = arith.constant 0 : i32
        %dma_wait3A_623 = tpu.memref_slice %arg3[%dma_wait3A_621, %dma_wait3A_622] : memref<1000x128xf32, #tpu.memory_space<hbm>> -> memref<64x128xf32, #tpu.memory_space<hbm>>
        tpu.wait_dma2 semaphore(%run_scoped3A : memref<!tpu.dma_semaphore, #tpu.memory_space<semaphore_mem>>) src(%dma_wait3A_623 : memref<64x128xf32, #tpu.memory_space<hbm>>) dst(%dma_wait3A_620 : memref<64x128xf32, #tpu.memory_space<vmem_shared>>)
        tpu.yield
      }) : () -> ()
    } else {
    }
    %eq3A_55 = arith.constant 11 : i32
    %eq3A_56 = arith.cmpi eq, %arg1, %eq3A_55 : i32
    %convert_element_type3A_57 = arith.extui %eq3A_56 : i1 to i32
    %cond3A_58 = arith.constant 0 : i32
    %cond3A_59 = arith.cmpi ne, %convert_element_type3A_57, %cond3A_58 : i32
    scf.if %cond3A_59 {
      "tpu.region"() ({
        %run_scoped3A = tpu.sem_alloc : memref<!tpu.dma_semaphore, #tpu.memory_space<semaphore_mem>>
        %dma_start3A_612 = arith.constant 705 : i32
        %dma_start3A_613 = arith.constant 0 : i32
        %dma_start3A_614 = tpu.memref_slice %arg7[%dma_start3A_612, %dma_start3A_613] : memref<1008x128xf32, #tpu.memory_space<vmem_shared>> -> memref<64x128xf32, #tpu.memory_space<vmem_shared>>
        %dma_start3A_615 = arith.constant 704 : i32
        %dma_start3A_616 = arith.constant 0 : i32
        %dma_start3A_617 = tpu.memref_slice %arg3[%dma_start3A_615, %dma_start3A_616] : memref<1000x128xf32, #tpu.memory_space<hbm>> -> memref<64x128xf32, #tpu.memory_space<hbm>>
        tpu.enqueue_dma source(%dma_start3A_617 : memref<64x128xf32, #tpu.memory_space<hbm>>) target(%dma_start3A_614 : memref<64x128xf32, #tpu.memory_space<vmem_shared>>) target_semaphore(%run_scoped3A : memref<!tpu.dma_semaphore, #tpu.memory_space<semaphore_mem>>)
        %dma_wait3A_618 = arith.constant 705 : i32
        %dma_wait3A_619 = arith.constant 0 : i32
        %dma_wait3A_620 = tpu.memref_slice %arg7[%dma_wait3A_618, %dma_wait3A_619] : memref<1008x128xf32, #tpu.memory_space<vmem_shared>> -> memref<64x128xf32, #tpu.memory_space<vmem_shared>>
        %dma_wait3A_621 = arith.constant 704 : i32
        %dma_wait3A_622 = arith.constant 0 : i32
        %dma_wait3A_623 = tpu.memref_slice %arg3[%dma_wait3A_621, %dma_wait3A_622] : memref<1000x128xf32, #tpu.memory_space<hbm>> -> memref<64x128xf32, #tpu.memory_space<hbm>>
        tpu.wait_dma2 semaphore(%run_scoped3A : memref<!tpu.dma_semaphore, #tpu.memory_space<semaphore_mem>>) src(%dma_wait3A_623 : memref<64x128xf32, #tpu.memory_space<hbm>>) dst(%dma_wait3A_620 : memref<64x128xf32, #tpu.memory_space<vmem_shared>>)
        tpu.yield
      }) : () -> ()
    } else {
    }
    %eq3A_60 = arith.constant 12 : i32
    %eq3A_61 = arith.cmpi eq, %arg1, %eq3A_60 : i32
    %convert_element_type3A_62 = arith.extui %eq3A_61 : i1 to i32
    %cond3A_63 = arith.constant 0 : i32
    %cond3A_64 = arith.cmpi ne, %convert_element_type3A_62, %cond3A_63 : i32
    scf.if %cond3A_64 {
      "tpu.region"() ({
        %run_scoped3A = tpu.sem_alloc : memref<!tpu.dma_semaphore, #tpu.memory_space<semaphore_mem>>
        %dma_start3A_612 = arith.constant 769 : i32
        %dma_start3A_613 = arith.constant 0 : i32
        %dma_start3A_614 = tpu.memref_slice %arg7[%dma_start3A_612, %dma_start3A_613] : memref<1008x128xf32, #tpu.memory_space<vmem_shared>> -> memref<64x128xf32, #tpu.memory_space<vmem_shared>>
        %dma_start3A_615 = arith.constant 768 : i32
        %dma_start3A_616 = arith.constant 0 : i32
        %dma_start3A_617 = tpu.memref_slice %arg3[%dma_start3A_615, %dma_start3A_616] : memref<1000x128xf32, #tpu.memory_space<hbm>> -> memref<64x128xf32, #tpu.memory_space<hbm>>
        tpu.enqueue_dma source(%dma_start3A_617 : memref<64x128xf32, #tpu.memory_space<hbm>>) target(%dma_start3A_614 : memref<64x128xf32, #tpu.memory_space<vmem_shared>>) target_semaphore(%run_scoped3A : memref<!tpu.dma_semaphore, #tpu.memory_space<semaphore_mem>>)
        %dma_wait3A_618 = arith.constant 769 : i32
        %dma_wait3A_619 = arith.constant 0 : i32
        %dma_wait3A_620 = tpu.memref_slice %arg7[%dma_wait3A_618, %dma_wait3A_619] : memref<1008x128xf32, #tpu.memory_space<vmem_shared>> -> memref<64x128xf32, #tpu.memory_space<vmem_shared>>
        %dma_wait3A_621 = arith.constant 768 : i32
        %dma_wait3A_622 = arith.constant 0 : i32
        %dma_wait3A_623 = tpu.memref_slice %arg3[%dma_wait3A_621, %dma_wait3A_622] : memref<1000x128xf32, #tpu.memory_space<hbm>> -> memref<64x128xf32, #tpu.memory_space<hbm>>
        tpu.wait_dma2 semaphore(%run_scoped3A : memref<!tpu.dma_semaphore, #tpu.memory_space<semaphore_mem>>) src(%dma_wait3A_623 : memref<64x128xf32, #tpu.memory_space<hbm>>) dst(%dma_wait3A_620 : memref<64x128xf32, #tpu.memory_space<vmem_shared>>)
        tpu.yield
      }) : () -> ()
    } else {
    }
    %eq3A_65 = arith.constant 13 : i32
    %eq3A_66 = arith.cmpi eq, %arg1, %eq3A_65 : i32
    %convert_element_type3A_67 = arith.extui %eq3A_66 : i1 to i32
    %cond3A_68 = arith.constant 0 : i32
    %cond3A_69 = arith.cmpi ne, %convert_element_type3A_67, %cond3A_68 : i32
    scf.if %cond3A_69 {
      "tpu.region"() ({
        %run_scoped3A = tpu.sem_alloc : memref<!tpu.dma_semaphore, #tpu.memory_space<semaphore_mem>>
        %dma_start3A_612 = arith.constant 833 : i32
        %dma_start3A_613 = arith.constant 0 : i32
        %dma_start3A_614 = tpu.memref_slice %arg7[%dma_start3A_612, %dma_start3A_613] : memref<1008x128xf32, #tpu.memory_space<vmem_shared>> -> memref<64x128xf32, #tpu.memory_space<vmem_shared>>
        %dma_start3A_615 = arith.constant 832 : i32
        %dma_start3A_616 = arith.constant 0 : i32
        %dma_start3A_617 = tpu.memref_slice %arg3[%dma_start3A_615, %dma_start3A_616] : memref<1000x128xf32, #tpu.memory_space<hbm>> -> memref<64x128xf32, #tpu.memory_space<hbm>>
        tpu.enqueue_dma source(%dma_start3A_617 : memref<64x128xf32, #tpu.memory_space<hbm>>) target(%dma_start3A_614 : memref<64x128xf32, #tpu.memory_space<vmem_shared>>) target_semaphore(%run_scoped3A : memref<!tpu.dma_semaphore, #tpu.memory_space<semaphore_mem>>)
        %dma_wait3A_618 = arith.constant 833 : i32
        %dma_wait3A_619 = arith.constant 0 : i32
        %dma_wait3A_620 = tpu.memref_slice %arg7[%dma_wait3A_618, %dma_wait3A_619] : memref<1008x128xf32, #tpu.memory_space<vmem_shared>> -> memref<64x128xf32, #tpu.memory_space<vmem_shared>>
        %dma_wait3A_621 = arith.constant 832 : i32
        %dma_wait3A_622 = arith.constant 0 : i32
        %dma_wait3A_623 = tpu.memref_slice %arg3[%dma_wait3A_621, %dma_wait3A_622] : memref<1000x128xf32, #tpu.memory_space<hbm>> -> memref<64x128xf32, #tpu.memory_space<hbm>>
        tpu.wait_dma2 semaphore(%run_scoped3A : memref<!tpu.dma_semaphore, #tpu.memory_space<semaphore_mem>>) src(%dma_wait3A_623 : memref<64x128xf32, #tpu.memory_space<hbm>>) dst(%dma_wait3A_620 : memref<64x128xf32, #tpu.memory_space<vmem_shared>>)
        tpu.yield
      }) : () -> ()
    } else {
    }
    %eq3A_70 = arith.constant 14 : i32
    %eq3A_71 = arith.cmpi eq, %arg1, %eq3A_70 : i32
    %convert_element_type3A_72 = arith.extui %eq3A_71 : i1 to i32
    %cond3A_73 = arith.constant 0 : i32
    %cond3A_74 = arith.cmpi ne, %convert_element_type3A_72, %cond3A_73 : i32
    scf.if %cond3A_74 {
      "tpu.region"() ({
        %run_scoped3A = tpu.sem_alloc : memref<!tpu.dma_semaphore, #tpu.memory_space<semaphore_mem>>
        %dma_start3A_612 = arith.constant 897 : i32
        %dma_start3A_613 = arith.constant 0 : i32
        %dma_start3A_614 = tpu.memref_slice %arg7[%dma_start3A_612, %dma_start3A_613] : memref<1008x128xf32, #tpu.memory_space<vmem_shared>> -> memref<64x128xf32, #tpu.memory_space<vmem_shared>>
        %dma_start3A_615 = arith.constant 896 : i32
        %dma_start3A_616 = arith.constant 0 : i32
        %dma_start3A_617 = tpu.memref_slice %arg3[%dma_start3A_615, %dma_start3A_616] : memref<1000x128xf32, #tpu.memory_space<hbm>> -> memref<64x128xf32, #tpu.memory_space<hbm>>
        tpu.enqueue_dma source(%dma_start3A_617 : memref<64x128xf32, #tpu.memory_space<hbm>>) target(%dma_start3A_614 : memref<64x128xf32, #tpu.memory_space<vmem_shared>>) target_semaphore(%run_scoped3A : memref<!tpu.dma_semaphore, #tpu.memory_space<semaphore_mem>>)
        %dma_wait3A_618 = arith.constant 897 : i32
        %dma_wait3A_619 = arith.constant 0 : i32
        %dma_wait3A_620 = tpu.memref_slice %arg7[%dma_wait3A_618, %dma_wait3A_619] : memref<1008x128xf32, #tpu.memory_space<vmem_shared>> -> memref<64x128xf32, #tpu.memory_space<vmem_shared>>
        %dma_wait3A_621 = arith.constant 896 : i32
        %dma_wait3A_622 = arith.constant 0 : i32
        %dma_wait3A_623 = tpu.memref_slice %arg3[%dma_wait3A_621, %dma_wait3A_622] : memref<1000x128xf32, #tpu.memory_space<hbm>> -> memref<64x128xf32, #tpu.memory_space<hbm>>
        tpu.wait_dma2 semaphore(%run_scoped3A : memref<!tpu.dma_semaphore, #tpu.memory_space<semaphore_mem>>) src(%dma_wait3A_623 : memref<64x128xf32, #tpu.memory_space<hbm>>) dst(%dma_wait3A_620 : memref<64x128xf32, #tpu.memory_space<vmem_shared>>)
        tpu.yield
      }) : () -> ()
    } else {
    }
    %eq3A_75 = arith.constant 15 : i32
    %eq3A_76 = arith.cmpi eq, %arg1, %eq3A_75 : i32
    %convert_element_type3A_77 = arith.extui %eq3A_76 : i1 to i32
    %cond3A_78 = arith.constant 0 : i32
    %cond3A_79 = arith.cmpi ne, %convert_element_type3A_77, %cond3A_78 : i32
    scf.if %cond3A_79 {
      "tpu.region"() ({
        %run_scoped3A = tpu.sem_alloc : memref<!tpu.dma_semaphore, #tpu.memory_space<semaphore_mem>>
        %dma_start3A_612 = arith.constant 961 : i32
        %dma_start3A_613 = arith.constant 0 : i32
        %dma_start3A_614 = tpu.memref_slice %arg7[%dma_start3A_612, %dma_start3A_613] : memref<1008x128xf32, #tpu.memory_space<vmem_shared>> -> memref<40x128xf32, #tpu.memory_space<vmem_shared>>
        %dma_start3A_615 = arith.constant 960 : i32
        %dma_start3A_616 = arith.constant 0 : i32
        %dma_start3A_617 = tpu.memref_slice %arg3[%dma_start3A_615, %dma_start3A_616] : memref<1000x128xf32, #tpu.memory_space<hbm>> -> memref<40x128xf32, #tpu.memory_space<hbm>>
        tpu.enqueue_dma source(%dma_start3A_617 : memref<40x128xf32, #tpu.memory_space<hbm>>) target(%dma_start3A_614 : memref<40x128xf32, #tpu.memory_space<vmem_shared>>) target_semaphore(%run_scoped3A : memref<!tpu.dma_semaphore, #tpu.memory_space<semaphore_mem>>)
        %dma_wait3A_618 = arith.constant 961 : i32
        %dma_wait3A_619 = arith.constant 0 : i32
        %dma_wait3A_620 = tpu.memref_slice %arg7[%dma_wait3A_618, %dma_wait3A_619] : memref<1008x128xf32, #tpu.memory_space<vmem_shared>> -> memref<40x128xf32, #tpu.memory_space<vmem_shared>>
        %dma_wait3A_621 = arith.constant 960 : i32
        %dma_wait3A_622 = arith.constant 0 : i32
        %dma_wait3A_623 = tpu.memref_slice %arg3[%dma_wait3A_621, %dma_wait3A_622] : memref<1000x128xf32, #tpu.memory_space<hbm>> -> memref<40x128xf32, #tpu.memory_space<hbm>>
        tpu.wait_dma2 semaphore(%run_scoped3A : memref<!tpu.dma_semaphore, #tpu.memory_space<semaphore_mem>>) src(%dma_wait3A_623 : memref<40x128xf32, #tpu.memory_space<hbm>>) dst(%dma_wait3A_620 : memref<40x128xf32, #tpu.memory_space<vmem_shared>>)
        tpu.yield
      }) : () -> ()
    } else {
    }
    "tpu.region"() ({
      %run_scoped3A = tpu.sem_alloc : memref<!tpu.dma_semaphore, #tpu.memory_space<semaphore_mem>>
      %dma_start3A_612 = arith.constant 0 : i32
      %dma_start3A_613 = tpu.memref_slice %arg2[%add3A, %dma_start3A_612] : memref<32x6400xi32, #tpu.memory_space<hbm>> -> memref<1x6400xi32, #tpu.memory_space<hbm>>
      %dma_start3A_614 = tpu.memref_squeeze %dma_start3A_613 : memref<1x6400xi32, #tpu.memory_space<hbm>> -> memref<6400xi32, #tpu.memory_space<hbm>>
      %dma_start3A_615 = arith.constant 0 : i32
      %dma_start3A_616 = tpu.memref_slice %arg2[%add3A, %dma_start3A_615] : memref<32x6400xi32, #tpu.memory_space<hbm>> -> memref<1x6400xi32, #tpu.memory_space<hbm>>
      %dma_start3A_617 = tpu.memref_squeeze %dma_start3A_616 : memref<1x6400xi32, #tpu.memory_space<hbm>> -> memref<6400xi32, #tpu.memory_space<hbm>>
      tpu.enqueue_dma source(%dma_start3A_617 : memref<6400xi32, #tpu.memory_space<hbm>>) target(%arg5 : memref<6400xi32, #tpu.memory_space<vmem>>) target_semaphore(%run_scoped3A : memref<!tpu.dma_semaphore, #tpu.memory_space<semaphore_mem>>)
      %dma_wait3A_618 = arith.constant 0 : i32
      %dma_wait3A_619 = tpu.memref_slice %arg2[%add3A, %dma_wait3A_618] : memref<32x6400xi32, #tpu.memory_space<hbm>> -> memref<1x6400xi32, #tpu.memory_space<hbm>>
      %dma_wait3A_620 = tpu.memref_squeeze %dma_wait3A_619 : memref<1x6400xi32, #tpu.memory_space<hbm>> -> memref<6400xi32, #tpu.memory_space<hbm>>
      %dma_wait3A_621 = arith.constant 0 : i32
      %dma_wait3A_622 = tpu.memref_slice %arg2[%add3A, %dma_wait3A_621] : memref<32x6400xi32, #tpu.memory_space<hbm>> -> memref<1x6400xi32, #tpu.memory_space<hbm>>
      %dma_wait3A_623 = tpu.memref_squeeze %dma_wait3A_622 : memref<1x6400xi32, #tpu.memory_space<hbm>> -> memref<6400xi32, #tpu.memory_space<hbm>>
      tpu.wait_dma2 semaphore(%run_scoped3A : memref<!tpu.dma_semaphore, #tpu.memory_space<semaphore_mem>>) src(%dma_wait3A_623 : memref<6400xi32, #tpu.memory_space<hbm>>) dst(%arg5 : memref<6400xi32, #tpu.memory_space<vmem>>)
      tpu.yield
    }) : () -> ()
    %barrier3A = arith.constant 0 : index
    tpu.barrier barrier_id(%barrier3A)
    %dma_start3A = arith.constant 0 : i32
    %dma_start3A_80 = arith.constant 0 : i32
    %dma_start3A_81 = arith.constant 0 : i32
    %dma_start3A_82 = tpu.memref_slice %arg6[%dma_start3A, %dma_start3A_80, %dma_start3A_81] : memref<5x128x128xf32, #tpu.memory_space<vmem>> -> memref<1x128x128xf32, #tpu.memory_space<vmem>>
    %dma_start3A_83 = tpu.memref_squeeze %dma_start3A_82 : memref<1x128x128xf32, #tpu.memory_space<vmem>> -> memref<128x128xf32, #tpu.memory_space<vmem>>
    %dma_start3A_84 = arith.constant 0 : i32
    %dma_start3A_85 = tpu.memref_slice %arg5[%dma_start3A_84] : memref<6400xi32, #tpu.memory_space<vmem>> -> memref<128xi32, #tpu.memory_space<vmem>>
    %dma_start3A_86 = arith.constant 0 : i32
    %dma_start3A_87 = arith.constant 0 : i32
    %dma_start3A_88 = tpu.memref_slice %arg7[%dma_start3A_86, %dma_start3A_87] : memref<1008x128xf32, #tpu.memory_space<vmem_shared>> -> memref<1008x128xf32, #tpu.memory_space<vmem_shared>>
    tpu.enqueue_indirect_dma source(%dma_start3A_88 : memref<1008x128xf32, #tpu.memory_space<vmem_shared>>) target(%dma_start3A_83 : memref<128x128xf32, #tpu.memory_space<vmem>>) offsets(%dma_start3A_85 : memref<128xi32, #tpu.memory_space<vmem>>) semaphore(%arg8 : memref<!tpu.dma_semaphore, #tpu.memory_space<semaphore_mem>>)
    %dma_start3A_89 = arith.constant 1 : i32
    %dma_start3A_90 = arith.constant 0 : i32
    %dma_start3A_91 = arith.constant 0 : i32
    %dma_start3A_92 = tpu.memref_slice %arg6[%dma_start3A_89, %dma_start3A_90, %dma_start3A_91] : memref<5x128x128xf32, #tpu.memory_space<vmem>> -> memref<1x128x128xf32, #tpu.memory_space<vmem>>
    %dma_start3A_93 = tpu.memref_squeeze %dma_start3A_92 : memref<1x128x128xf32, #tpu.memory_space<vmem>> -> memref<128x128xf32, #tpu.memory_space<vmem>>
    %dma_start3A_94 = arith.constant 128 : i32
    %dma_start3A_95 = tpu.memref_slice %arg5[%dma_start3A_94] : memref<6400xi32, #tpu.memory_space<vmem>> -> memref<128xi32, #tpu.memory_space<vmem>>
    %dma_start3A_96 = arith.constant 0 : i32
    %dma_start3A_97 = arith.constant 0 : i32
    %dma_start3A_98 = tpu.memref_slice %arg7[%dma_start3A_96, %dma_start3A_97] : memref<1008x128xf32, #tpu.memory_space<vmem_shared>> -> memref<1008x128xf32, #tpu.memory_space<vmem_shared>>
    tpu.enqueue_indirect_dma source(%dma_start3A_98 : memref<1008x128xf32, #tpu.memory_space<vmem_shared>>) target(%dma_start3A_93 : memref<128x128xf32, #tpu.memory_space<vmem>>) offsets(%dma_start3A_95 : memref<128xi32, #tpu.memory_space<vmem>>) semaphore(%arg9 : memref<!tpu.dma_semaphore, #tpu.memory_space<semaphore_mem>>)
    %dma_start3A_99 = arith.constant 2 : i32
    %dma_start3A_100 = arith.constant 0 : i32
    %dma_start3A_101 = arith.constant 0 : i32
    %dma_start3A_102 = tpu.memref_slice %arg6[%dma_start3A_99, %dma_start3A_100, %dma_start3A_101] : memref<5x128x128xf32, #tpu.memory_space<vmem>> -> memref<1x128x128xf32, #tpu.memory_space<vmem>>
    %dma_start3A_103 = tpu.memref_squeeze %dma_start3A_102 : memref<1x128x128xf32, #tpu.memory_space<vmem>> -> memref<128x128xf32, #tpu.memory_space<vmem>>
    %dma_start3A_104 = arith.constant 256 : i32
    %dma_start3A_105 = tpu.memref_slice %arg5[%dma_start3A_104] : memref<6400xi32, #tpu.memory_space<vmem>> -> memref<128xi32, #tpu.memory_space<vmem>>
    %dma_start3A_106 = arith.constant 0 : i32
    %dma_start3A_107 = arith.constant 0 : i32
    %dma_start3A_108 = tpu.memref_slice %arg7[%dma_start3A_106, %dma_start3A_107] : memref<1008x128xf32, #tpu.memory_space<vmem_shared>> -> memref<1008x128xf32, #tpu.memory_space<vmem_shared>>
    tpu.enqueue_indirect_dma source(%dma_start3A_108 : memref<1008x128xf32, #tpu.memory_space<vmem_shared>>) target(%dma_start3A_103 : memref<128x128xf32, #tpu.memory_space<vmem>>) offsets(%dma_start3A_105 : memref<128xi32, #tpu.memory_space<vmem>>) semaphore(%arg10 : memref<!tpu.dma_semaphore, #tpu.memory_space<semaphore_mem>>)
    %dma_wait3A = arith.constant 0 : i32
    %dma_wait3A_109 = arith.constant 0 : i32
    %dma_wait3A_110 = arith.constant 0 : i32
    %dma_wait3A_111 = tpu.memref_slice %arg6[%dma_wait3A, %dma_wait3A_109, %dma_wait3A_110] : memref<5x128x128xf32, #tpu.memory_space<vmem>> -> memref<1x128x128xf32, #tpu.memory_space<vmem>>
    %dma_wait3A_112 = tpu.memref_squeeze %dma_wait3A_111 : memref<1x128x128xf32, #tpu.memory_space<vmem>> -> memref<128x128xf32, #tpu.memory_space<vmem>>
    %dma_wait3A_113 = arith.constant 0 : i32
    %dma_wait3A_114 = arith.constant 0 : i32
    %dma_wait3A_115 = tpu.memref_slice %arg3[%dma_wait3A_113, %dma_wait3A_114] : memref<1000x128xf32, #tpu.memory_space<hbm>> -> memref<128x128xf32, #tpu.memory_space<hbm>>
    %dma_wait3A_116 = arith.constant 0 : i32
    %dma_wait3A_117 = arith.constant 0 : i32
    %dma_wait3A_118 = tpu.memref_slice %arg6[%dma_wait3A, %dma_wait3A_116, %dma_wait3A_117] : memref<5x128x128xf32, #tpu.memory_space<vmem>> -> memref<1x128x128xf32, #tpu.memory_space<vmem>>
    %dma_wait3A_119 = tpu.memref_squeeze %dma_wait3A_118 : memref<1x128x128xf32, #tpu.memory_space<vmem>> -> memref<128x128xf32, #tpu.memory_space<vmem>>
    %dma_wait3A_120 = arith.constant 0 : i32
    %dma_wait3A_121 = arith.constant 0 : i32
    %dma_wait3A_122 = tpu.memref_slice %arg3[%dma_wait3A_120, %dma_wait3A_121] : memref<1000x128xf32, #tpu.memory_space<hbm>> -> memref<128x128xf32, #tpu.memory_space<hbm>>
    tpu.wait_dma2 semaphore(%arg8 : memref<!tpu.dma_semaphore, #tpu.memory_space<semaphore_mem>>) src(%dma_wait3A_122 : memref<128x128xf32, #tpu.memory_space<hbm>>) dst(%dma_wait3A_119 : memref<128x128xf32, #tpu.memory_space<vmem>>)
    %add3A_123 = arith.constant 0 : i32
    %add3A_124 = arith.addi %mul3A_2, %add3A_123 : i32
    %dma_start3A_125 = arith.constant 0 : i32
    %dma_start3A_126 = arith.constant 0 : i32
    %dma_start3A_127 = arith.constant 0 : i32
    %dma_start3A_128 = tpu.memref_slice %arg6[%dma_start3A_125, %dma_start3A_126, %dma_start3A_127] : memref<5x128x128xf32, #tpu.memory_space<vmem>> -> memref<1x128x128xf32, #tpu.memory_space<vmem>>
    %dma_start3A_129 = tpu.memref_squeeze %dma_start3A_128 : memref<1x128x128xf32, #tpu.memory_space<vmem>> -> memref<128x128xf32, #tpu.memory_space<vmem>>
    %dma_start3A_130 = arith.constant 0 : i32
    %dma_start3A_131 = tpu.memref_slice %arg4[%add3A_124, %dma_start3A_130] : memref<204800x128xf32, #tpu.memory_space<hbm>> -> memref<128x128xf32, #tpu.memory_space<hbm>>
    %dma_start3A_132 = arith.constant 0 : i32
    %dma_start3A_133 = tpu.memref_slice %arg4[%add3A_124, %dma_start3A_132] : memref<204800x128xf32, #tpu.memory_space<hbm>> -> memref<128x128xf32, #tpu.memory_space<hbm>>
    %dma_start3A_134 = arith.constant 0 : i32
    %dma_start3A_135 = arith.constant 0 : i32
    %dma_start3A_136 = tpu.memref_slice %arg6[%dma_start3A_125, %dma_start3A_134, %dma_start3A_135] : memref<5x128x128xf32, #tpu.memory_space<vmem>> -> memref<1x128x128xf32, #tpu.memory_space<vmem>>
    %dma_start3A_137 = tpu.memref_squeeze %dma_start3A_136 : memref<1x128x128xf32, #tpu.memory_space<vmem>> -> memref<128x128xf32, #tpu.memory_space<vmem>>
    tpu.enqueue_dma source(%dma_start3A_137 : memref<128x128xf32, #tpu.memory_space<vmem>>) target(%dma_start3A_133 : memref<128x128xf32, #tpu.memory_space<hbm>>) target_semaphore(%arg13 : memref<!tpu.dma_semaphore, #tpu.memory_space<semaphore_mem>>)
    %dma_start3A_138 = arith.constant 3 : i32
    %dma_start3A_139 = arith.constant 0 : i32
    %dma_start3A_140 = arith.constant 0 : i32
    %dma_start3A_141 = tpu.memref_slice %arg6[%dma_start3A_138, %dma_start3A_139, %dma_start3A_140] : memref<5x128x128xf32, #tpu.memory_space<vmem>> -> memref<1x128x128xf32, #tpu.memory_space<vmem>>
    %dma_start3A_142 = tpu.memref_squeeze %dma_start3A_141 : memref<1x128x128xf32, #tpu.memory_space<vmem>> -> memref<128x128xf32, #tpu.memory_space<vmem>>
    %dma_start3A_143 = arith.constant 384 : i32
    %dma_start3A_144 = tpu.memref_slice %arg5[%dma_start3A_143] : memref<6400xi32, #tpu.memory_space<vmem>> -> memref<128xi32, #tpu.memory_space<vmem>>
    %dma_start3A_145 = arith.constant 0 : i32
    %dma_start3A_146 = arith.constant 0 : i32
    %dma_start3A_147 = tpu.memref_slice %arg7[%dma_start3A_145, %dma_start3A_146] : memref<1008x128xf32, #tpu.memory_space<vmem_shared>> -> memref<1008x128xf32, #tpu.memory_space<vmem_shared>>
    tpu.enqueue_indirect_dma source(%dma_start3A_147 : memref<1008x128xf32, #tpu.memory_space<vmem_shared>>) target(%dma_start3A_142 : memref<128x128xf32, #tpu.memory_space<vmem>>) offsets(%dma_start3A_144 : memref<128xi32, #tpu.memory_space<vmem>>) semaphore(%arg11 : memref<!tpu.dma_semaphore, #tpu.memory_space<semaphore_mem>>)
    %dma_wait3A_148 = arith.constant 1 : i32
    %dma_wait3A_149 = arith.constant 0 : i32
    %dma_wait3A_150 = arith.constant 0 : i32
    %dma_wait3A_151 = tpu.memref_slice %arg6[%dma_wait3A_148, %dma_wait3A_149, %dma_wait3A_150] : memref<5x128x128xf32, #tpu.memory_space<vmem>> -> memref<1x128x128xf32, #tpu.memory_space<vmem>>
    %dma_wait3A_152 = tpu.memref_squeeze %dma_wait3A_151 : memref<1x128x128xf32, #tpu.memory_space<vmem>> -> memref<128x128xf32, #tpu.memory_space<vmem>>
    %dma_wait3A_153 = arith.constant 0 : i32
    %dma_wait3A_154 = arith.constant 0 : i32
    %dma_wait3A_155 = tpu.memref_slice %arg3[%dma_wait3A_153, %dma_wait3A_154] : memref<1000x128xf32, #tpu.memory_space<hbm>> -> memref<128x128xf32, #tpu.memory_space<hbm>>
    %dma_wait3A_156 = arith.constant 0 : i32
    %dma_wait3A_157 = arith.constant 0 : i32
    %dma_wait3A_158 = tpu.memref_slice %arg6[%dma_wait3A_148, %dma_wait3A_156, %dma_wait3A_157] : memref<5x128x128xf32, #tpu.memory_space<vmem>> -> memref<1x128x128xf32, #tpu.memory_space<vmem>>
    %dma_wait3A_159 = tpu.memref_squeeze %dma_wait3A_158 : memref<1x128x128xf32, #tpu.memory_space<vmem>> -> memref<128x128xf32, #tpu.memory_space<vmem>>
    %dma_wait3A_160 = arith.constant 0 : i32
    %dma_wait3A_161 = arith.constant 0 : i32
    %dma_wait3A_162 = tpu.memref_slice %arg3[%dma_wait3A_160, %dma_wait3A_161] : memref<1000x128xf32, #tpu.memory_space<hbm>> -> memref<128x128xf32, #tpu.memory_space<hbm>>
    tpu.wait_dma2 semaphore(%arg9 : memref<!tpu.dma_semaphore, #tpu.memory_space<semaphore_mem>>) src(%dma_wait3A_162 : memref<128x128xf32, #tpu.memory_space<hbm>>) dst(%dma_wait3A_159 : memref<128x128xf32, #tpu.memory_space<vmem>>)
    %add3A_163 = arith.constant 128 : i32
    %add3A_164 = arith.addi %mul3A_2, %add3A_163 : i32
    %dma_start3A_165 = arith.constant 1 : i32
    %dma_start3A_166 = arith.constant 0 : i32
    %dma_start3A_167 = arith.constant 0 : i32
    %dma_start3A_168 = tpu.memref_slice %arg6[%dma_start3A_165, %dma_start3A_166, %dma_start3A_167] : memref<5x128x128xf32, #tpu.memory_space<vmem>> -> memref<1x128x128xf32, #tpu.memory_space<vmem>>
    %dma_start3A_169 = tpu.memref_squeeze %dma_start3A_168 : memref<1x128x128xf32, #tpu.memory_space<vmem>> -> memref<128x128xf32, #tpu.memory_space<vmem>>
    %dma_start3A_170 = arith.constant 0 : i32
    %dma_start3A_171 = tpu.memref_slice %arg4[%add3A_164, %dma_start3A_170] : memref<204800x128xf32, #tpu.memory_space<hbm>> -> memref<128x128xf32, #tpu.memory_space<hbm>>
    %dma_start3A_172 = arith.constant 0 : i32
    %dma_start3A_173 = tpu.memref_slice %arg4[%add3A_164, %dma_start3A_172] : memref<204800x128xf32, #tpu.memory_space<hbm>> -> memref<128x128xf32, #tpu.memory_space<hbm>>
    %dma_start3A_174 = arith.constant 0 : i32
    %dma_start3A_175 = arith.constant 0 : i32
    %dma_start3A_176 = tpu.memref_slice %arg6[%dma_start3A_165, %dma_start3A_174, %dma_start3A_175] : memref<5x128x128xf32, #tpu.memory_space<vmem>> -> memref<1x128x128xf32, #tpu.memory_space<vmem>>
    %dma_start3A_177 = tpu.memref_squeeze %dma_start3A_176 : memref<1x128x128xf32, #tpu.memory_space<vmem>> -> memref<128x128xf32, #tpu.memory_space<vmem>>
    tpu.enqueue_dma source(%dma_start3A_177 : memref<128x128xf32, #tpu.memory_space<vmem>>) target(%dma_start3A_173 : memref<128x128xf32, #tpu.memory_space<hbm>>) target_semaphore(%arg14 : memref<!tpu.dma_semaphore, #tpu.memory_space<semaphore_mem>>)
    %dma_start3A_178 = arith.constant 4 : i32
    %dma_start3A_179 = arith.constant 0 : i32
    %dma_start3A_180 = arith.constant 0 : i32
    %dma_start3A_181 = tpu.memref_slice %arg6[%dma_start3A_178, %dma_start3A_179, %dma_start3A_180] : memref<5x128x128xf32, #tpu.memory_space<vmem>> -> memref<1x128x128xf32, #tpu.memory_space<vmem>>
    %dma_start3A_182 = tpu.memref_squeeze %dma_start3A_181 : memref<1x128x128xf32, #tpu.memory_space<vmem>> -> memref<128x128xf32, #tpu.memory_space<vmem>>
    %dma_start3A_183 = arith.constant 512 : i32
    %dma_start3A_184 = tpu.memref_slice %arg5[%dma_start3A_183] : memref<6400xi32, #tpu.memory_space<vmem>> -> memref<128xi32, #tpu.memory_space<vmem>>
    %dma_start3A_185 = arith.constant 0 : i32
    %dma_start3A_186 = arith.constant 0 : i32
    %dma_start3A_187 = tpu.memref_slice %arg7[%dma_start3A_185, %dma_start3A_186] : memref<1008x128xf32, #tpu.memory_space<vmem_shared>> -> memref<1008x128xf32, #tpu.memory_space<vmem_shared>>
    tpu.enqueue_indirect_dma source(%dma_start3A_187 : memref<1008x128xf32, #tpu.memory_space<vmem_shared>>) target(%dma_start3A_182 : memref<128x128xf32, #tpu.memory_space<vmem>>) offsets(%dma_start3A_184 : memref<128xi32, #tpu.memory_space<vmem>>) semaphore(%arg12 : memref<!tpu.dma_semaphore, #tpu.memory_space<semaphore_mem>>)
    %dma_wait3A_188 = arith.constant 2 : i32
    %dma_wait3A_189 = arith.constant 0 : i32
    %dma_wait3A_190 = arith.constant 0 : i32
    %dma_wait3A_191 = tpu.memref_slice %arg6[%dma_wait3A_188, %dma_wait3A_189, %dma_wait3A_190] : memref<5x128x128xf32, #tpu.memory_space<vmem>> -> memref<1x128x128xf32, #tpu.memory_space<vmem>>
    %dma_wait3A_192 = tpu.memref_squeeze %dma_wait3A_191 : memref<1x128x128xf32, #tpu.memory_space<vmem>> -> memref<128x128xf32, #tpu.memory_space<vmem>>
    %dma_wait3A_193 = arith.constant 0 : i32
    %dma_wait3A_194 = arith.constant 0 : i32
    %dma_wait3A_195 = tpu.memref_slice %arg3[%dma_wait3A_193, %dma_wait3A_194] : memref<1000x128xf32, #tpu.memory_space<hbm>> -> memref<128x128xf32, #tpu.memory_space<hbm>>
    %dma_wait3A_196 = arith.constant 0 : i32
    %dma_wait3A_197 = arith.constant 0 : i32
    %dma_wait3A_198 = tpu.memref_slice %arg6[%dma_wait3A_188, %dma_wait3A_196, %dma_wait3A_197] : memref<5x128x128xf32, #tpu.memory_space<vmem>> -> memref<1x128x128xf32, #tpu.memory_space<vmem>>
    %dma_wait3A_199 = tpu.memref_squeeze %dma_wait3A_198 : memref<1x128x128xf32, #tpu.memory_space<vmem>> -> memref<128x128xf32, #tpu.memory_space<vmem>>
    %dma_wait3A_200 = arith.constant 0 : i32
    %dma_wait3A_201 = arith.constant 0 : i32
    %dma_wait3A_202 = tpu.memref_slice %arg3[%dma_wait3A_200, %dma_wait3A_201] : memref<1000x128xf32, #tpu.memory_space<hbm>> -> memref<128x128xf32, #tpu.memory_space<hbm>>
    tpu.wait_dma2 semaphore(%arg10 : memref<!tpu.dma_semaphore, #tpu.memory_space<semaphore_mem>>) src(%dma_wait3A_202 : memref<128x128xf32, #tpu.memory_space<hbm>>) dst(%dma_wait3A_199 : memref<128x128xf32, #tpu.memory_space<vmem>>)
    %add3A_203 = arith.constant 256 : i32
    %add3A_204 = arith.addi %mul3A_2, %add3A_203 : i32
    %dma_start3A_205 = arith.constant 2 : i32
    %dma_start3A_206 = arith.constant 0 : i32
    %dma_start3A_207 = arith.constant 0 : i32
    %dma_start3A_208 = tpu.memref_slice %arg6[%dma_start3A_205, %dma_start3A_206, %dma_start3A_207] : memref<5x128x128xf32, #tpu.memory_space<vmem>> -> memref<1x128x128xf32, #tpu.memory_space<vmem>>
    %dma_start3A_209 = tpu.memref_squeeze %dma_start3A_208 : memref<1x128x128xf32, #tpu.memory_space<vmem>> -> memref<128x128xf32, #tpu.memory_space<vmem>>
    %dma_start3A_210 = arith.constant 0 : i32
    %dma_start3A_211 = tpu.memref_slice %arg4[%add3A_204, %dma_start3A_210] : memref<204800x128xf32, #tpu.memory_space<hbm>> -> memref<128x128xf32, #tpu.memory_space<hbm>>
    %dma_start3A_212 = arith.constant 0 : i32
    %dma_start3A_213 = tpu.memref_slice %arg4[%add3A_204, %dma_start3A_212] : memref<204800x128xf32, #tpu.memory_space<hbm>> -> memref<128x128xf32, #tpu.memory_space<hbm>>
    %dma_start3A_214 = arith.constant 0 : i32
    %dma_start3A_215 = arith.constant 0 : i32
    %dma_start3A_216 = tpu.memref_slice %arg6[%dma_start3A_205, %dma_start3A_214, %dma_start3A_215] : memref<5x128x128xf32, #tpu.memory_space<vmem>> -> memref<1x128x128xf32, #tpu.memory_space<vmem>>
    %dma_start3A_217 = tpu.memref_squeeze %dma_start3A_216 : memref<1x128x128xf32, #tpu.memory_space<vmem>> -> memref<128x128xf32, #tpu.memory_space<vmem>>
    tpu.enqueue_dma source(%dma_start3A_217 : memref<128x128xf32, #tpu.memory_space<vmem>>) target(%dma_start3A_213 : memref<128x128xf32, #tpu.memory_space<hbm>>) target_semaphore(%arg15 : memref<!tpu.dma_semaphore, #tpu.memory_space<semaphore_mem>>)
    %scan3A = arith.constant 0 : i32
    %scan3A_218 = arith.constant 8 : i32
    %scan3A_219 = arith.addi %scan3A, %scan3A_218 : i32
    %scan3A_220 = arith.constant 1 : i32
    scf.for %scan3A_612 = %scan3A to %scan3A_219 step %scan3A_220  : i32 {
      %mul3A_613 = arith.constant 1 : i32
      %mul3A_614 = arith.muli %scan3A_612, %mul3A_613 : i32
      %add3A_615 = arith.constant 0 : i32
      %add3A_616 = arith.addi %add3A_615, %mul3A_614 : i32
      %mul3A_617 = arith.constant 5 : i32
      %mul3A_618 = arith.muli %add3A_616, %mul3A_617 : i32
      %add3A_619 = arith.constant 5 : i32
      %add3A_620 = arith.addi %add3A_619, %mul3A_618 : i32
      %add3A_621 = arith.constant 0 : i32
      %add3A_622 = arith.addi %add3A_620, %add3A_621 : i32
      %dma_wait3A_623 = arith.constant 0 : i32
      %dma_wait3A_624 = arith.constant 0 : i32
      %dma_wait3A_625 = arith.constant 0 : i32
      %dma_wait3A_626 = tpu.memref_slice %arg6[%dma_wait3A_623, %dma_wait3A_624, %dma_wait3A_625] : memref<5x128x128xf32, #tpu.memory_space<vmem>> -> memref<1x128x128xf32, #tpu.memory_space<vmem>>
      %dma_wait3A_627 = tpu.memref_squeeze %dma_wait3A_626 : memref<1x128x128xf32, #tpu.memory_space<vmem>> -> memref<128x128xf32, #tpu.memory_space<vmem>>
      %dma_wait3A_628 = arith.constant 0 : i32
      %dma_wait3A_629 = tpu.memref_slice %arg4[%mul3A_2, %dma_wait3A_628] : memref<204800x128xf32, #tpu.memory_space<hbm>> -> memref<128x128xf32, #tpu.memory_space<hbm>>
      %dma_wait3A_630 = arith.constant 0 : i32
      %dma_wait3A_631 = tpu.memref_slice %arg4[%mul3A_2, %dma_wait3A_630] : memref<204800x128xf32, #tpu.memory_space<hbm>> -> memref<128x128xf32, #tpu.memory_space<hbm>>
      %dma_wait3A_632 = arith.constant 0 : i32
      %dma_wait3A_633 = arith.constant 0 : i32
      %dma_wait3A_634 = tpu.memref_slice %arg6[%dma_wait3A_623, %dma_wait3A_632, %dma_wait3A_633] : memref<5x128x128xf32, #tpu.memory_space<vmem>> -> memref<1x128x128xf32, #tpu.memory_space<vmem>>
      %dma_wait3A_635 = tpu.memref_squeeze %dma_wait3A_634 : memref<1x128x128xf32, #tpu.memory_space<vmem>> -> memref<128x128xf32, #tpu.memory_space<vmem>>
      tpu.wait_dma2 semaphore(%arg13 : memref<!tpu.dma_semaphore, #tpu.memory_space<semaphore_mem>>) src(%dma_wait3A_635 : memref<128x128xf32, #tpu.memory_space<vmem>>) dst(%dma_wait3A_631 : memref<128x128xf32, #tpu.memory_space<hbm>>)
      %mul3A_636 = arith.constant 128 : i32
      %mul3A_637 = arith.muli %add3A_622, %mul3A_636 : i32
      %dma_start3A_638 = arith.constant 0 : i32
      %dma_start3A_639 = arith.constant 0 : i32
      %dma_start3A_640 = arith.constant 0 : i32
      %dma_start3A_641 = tpu.memref_slice %arg6[%dma_start3A_638, %dma_start3A_639, %dma_start3A_640] : memref<5x128x128xf32, #tpu.memory_space<vmem>> -> memref<1x128x128xf32, #tpu.memory_space<vmem>>
      %dma_start3A_642 = tpu.memref_squeeze %dma_start3A_641 : memref<1x128x128xf32, #tpu.memory_space<vmem>> -> memref<128x128xf32, #tpu.memory_space<vmem>>
      %dma_start3A_643 = tpu.memref_slice %arg5[%mul3A_637] : memref<6400xi32, #tpu.memory_space<vmem>> -> memref<128xi32, #tpu.memory_space<vmem>>
      %dma_start3A_644 = arith.constant 0 : i32
      %dma_start3A_645 = arith.constant 0 : i32
      %dma_start3A_646 = tpu.memref_slice %arg7[%dma_start3A_644, %dma_start3A_645] : memref<1008x128xf32, #tpu.memory_space<vmem_shared>> -> memref<1008x128xf32, #tpu.memory_space<vmem_shared>>
      tpu.enqueue_indirect_dma source(%dma_start3A_646 : memref<1008x128xf32, #tpu.memory_space<vmem_shared>>) target(%dma_start3A_642 : memref<128x128xf32, #tpu.memory_space<vmem>>) offsets(%dma_start3A_643 : memref<128xi32, #tpu.memory_space<vmem>>) semaphore(%arg8 : memref<!tpu.dma_semaphore, #tpu.memory_space<semaphore_mem>>)
      %dma_wait3A_647 = arith.constant 3 : i32
      %dma_wait3A_648 = arith.constant 0 : i32
      %dma_wait3A_649 = arith.constant 0 : i32
      %dma_wait3A_650 = tpu.memref_slice %arg6[%dma_wait3A_647, %dma_wait3A_648, %dma_wait3A_649] : memref<5x128x128xf32, #tpu.memory_space<vmem>> -> memref<1x128x128xf32, #tpu.memory_space<vmem>>
      %dma_wait3A_651 = tpu.memref_squeeze %dma_wait3A_650 : memref<1x128x128xf32, #tpu.memory_space<vmem>> -> memref<128x128xf32, #tpu.memory_space<vmem>>
      %dma_wait3A_652 = arith.constant 0 : i32
      %dma_wait3A_653 = arith.constant 0 : i32
      %dma_wait3A_654 = tpu.memref_slice %arg3[%dma_wait3A_652, %dma_wait3A_653] : memref<1000x128xf32, #tpu.memory_space<hbm>> -> memref<128x128xf32, #tpu.memory_space<hbm>>
      %dma_wait3A_655 = arith.constant 0 : i32
      %dma_wait3A_656 = arith.constant 0 : i32
      %dma_wait3A_657 = tpu.memref_slice %arg6[%dma_wait3A_647, %dma_wait3A_655, %dma_wait3A_656] : memref<5x128x128xf32, #tpu.memory_space<vmem>> -> memref<1x128x128xf32, #tpu.memory_space<vmem>>
      %dma_wait3A_658 = tpu.memref_squeeze %dma_wait3A_657 : memref<1x128x128xf32, #tpu.memory_space<vmem>> -> memref<128x128xf32, #tpu.memory_space<vmem>>
      %dma_wait3A_659 = arith.constant 0 : i32
      %dma_wait3A_660 = arith.constant 0 : i32
      %dma_wait3A_661 = tpu.memref_slice %arg3[%dma_wait3A_659, %dma_wait3A_660] : memref<1000x128xf32, #tpu.memory_space<hbm>> -> memref<128x128xf32, #tpu.memory_space<hbm>>
      tpu.wait_dma2 semaphore(%arg11 : memref<!tpu.dma_semaphore, #tpu.memory_space<semaphore_mem>>) src(%dma_wait3A_661 : memref<128x128xf32, #tpu.memory_space<hbm>>) dst(%dma_wait3A_658 : memref<128x128xf32, #tpu.memory_space<vmem>>)
      %sub3A = arith.constant 2 : i32
      %sub3A_662 = arith.subi %add3A_622, %sub3A : i32
      %mul3A_663 = arith.constant 128 : i32
      %mul3A_664 = arith.muli %sub3A_662, %mul3A_663 : i32
      %add3A_665 = arith.addi %mul3A_2, %mul3A_664 : i32
      %dma_start3A_666 = arith.constant 3 : i32
      %dma_start3A_667 = arith.constant 0 : i32
      %dma_start3A_668 = arith.constant 0 : i32
      %dma_start3A_669 = tpu.memref_slice %arg6[%dma_start3A_666, %dma_start3A_667, %dma_start3A_668] : memref<5x128x128xf32, #tpu.memory_space<vmem>> -> memref<1x128x128xf32, #tpu.memory_space<vmem>>
      %dma_start3A_670 = tpu.memref_squeeze %dma_start3A_669 : memref<1x128x128xf32, #tpu.memory_space<vmem>> -> memref<128x128xf32, #tpu.memory_space<vmem>>
      %dma_start3A_671 = arith.constant 0 : i32
      %dma_start3A_672 = tpu.memref_slice %arg4[%add3A_665, %dma_start3A_671] : memref<204800x128xf32, #tpu.memory_space<hbm>> -> memref<128x128xf32, #tpu.memory_space<hbm>>
      %dma_start3A_673 = arith.constant 0 : i32
      %dma_start3A_674 = tpu.memref_slice %arg4[%add3A_665, %dma_start3A_673] : memref<204800x128xf32, #tpu.memory_space<hbm>> -> memref<128x128xf32, #tpu.memory_space<hbm>>
      %dma_start3A_675 = arith.constant 0 : i32
      %dma_start3A_676 = arith.constant 0 : i32
      %dma_start3A_677 = tpu.memref_slice %arg6[%dma_start3A_666, %dma_start3A_675, %dma_start3A_676] : memref<5x128x128xf32, #tpu.memory_space<vmem>> -> memref<1x128x128xf32, #tpu.memory_space<vmem>>
      %dma_start3A_678 = tpu.memref_squeeze %dma_start3A_677 : memref<1x128x128xf32, #tpu.memory_space<vmem>> -> memref<128x128xf32, #tpu.memory_space<vmem>>
      tpu.enqueue_dma source(%dma_start3A_678 : memref<128x128xf32, #tpu.memory_space<vmem>>) target(%dma_start3A_674 : memref<128x128xf32, #tpu.memory_space<hbm>>) target_semaphore(%arg16 : memref<!tpu.dma_semaphore, #tpu.memory_space<semaphore_mem>>)
      %mul3A_679 = arith.constant 5 : i32
      %mul3A_680 = arith.muli %add3A_616, %mul3A_679 : i32
      %add3A_681 = arith.constant 5 : i32
      %add3A_682 = arith.addi %add3A_681, %mul3A_680 : i32
      %add3A_683 = arith.constant 1 : i32
      %add3A_684 = arith.addi %add3A_682, %add3A_683 : i32
      %dma_wait3A_685 = arith.constant 1 : i32
      %dma_wait3A_686 = arith.constant 0 : i32
      %dma_wait3A_687 = arith.constant 0 : i32
      %dma_wait3A_688 = tpu.memref_slice %arg6[%dma_wait3A_685, %dma_wait3A_686, %dma_wait3A_687] : memref<5x128x128xf32, #tpu.memory_space<vmem>> -> memref<1x128x128xf32, #tpu.memory_space<vmem>>
      %dma_wait3A_689 = tpu.memref_squeeze %dma_wait3A_688 : memref<1x128x128xf32, #tpu.memory_space<vmem>> -> memref<128x128xf32, #tpu.memory_space<vmem>>
      %dma_wait3A_690 = arith.constant 0 : i32
      %dma_wait3A_691 = tpu.memref_slice %arg4[%mul3A_2, %dma_wait3A_690] : memref<204800x128xf32, #tpu.memory_space<hbm>> -> memref<128x128xf32, #tpu.memory_space<hbm>>
      %dma_wait3A_692 = arith.constant 0 : i32
      %dma_wait3A_693 = tpu.memref_slice %arg4[%mul3A_2, %dma_wait3A_692] : memref<204800x128xf32, #tpu.memory_space<hbm>> -> memref<128x128xf32, #tpu.memory_space<hbm>>
      %dma_wait3A_694 = arith.constant 0 : i32
      %dma_wait3A_695 = arith.constant 0 : i32
      %dma_wait3A_696 = tpu.memref_slice %arg6[%dma_wait3A_685, %dma_wait3A_694, %dma_wait3A_695] : memref<5x128x128xf32, #tpu.memory_space<vmem>> -> memref<1x128x128xf32, #tpu.memory_space<vmem>>
      %dma_wait3A_697 = tpu.memref_squeeze %dma_wait3A_696 : memref<1x128x128xf32, #tpu.memory_space<vmem>> -> memref<128x128xf32, #tpu.memory_space<vmem>>
      tpu.wait_dma2 semaphore(%arg14 : memref<!tpu.dma_semaphore, #tpu.memory_space<semaphore_mem>>) src(%dma_wait3A_697 : memref<128x128xf32, #tpu.memory_space<vmem>>) dst(%dma_wait3A_693 : memref<128x128xf32, #tpu.memory_space<hbm>>)
      %mul3A_698 = arith.constant 128 : i32
      %mul3A_699 = arith.muli %add3A_684, %mul3A_698 : i32
      %dma_start3A_700 = arith.constant 1 : i32
      %dma_start3A_701 = arith.constant 0 : i32
      %dma_start3A_702 = arith.constant 0 : i32
      %dma_start3A_703 = tpu.memref_slice %arg6[%dma_start3A_700, %dma_start3A_701, %dma_start3A_702] : memref<5x128x128xf32, #tpu.memory_space<vmem>> -> memref<1x128x128xf32, #tpu.memory_space<vmem>>
      %dma_start3A_704 = tpu.memref_squeeze %dma_start3A_703 : memref<1x128x128xf32, #tpu.memory_space<vmem>> -> memref<128x128xf32, #tpu.memory_space<vmem>>
      %dma_start3A_705 = tpu.memref_slice %arg5[%mul3A_699] : memref<6400xi32, #tpu.memory_space<vmem>> -> memref<128xi32, #tpu.memory_space<vmem>>
      %dma_start3A_706 = arith.constant 0 : i32
      %dma_start3A_707 = arith.constant 0 : i32
      %dma_start3A_708 = tpu.memref_slice %arg7[%dma_start3A_706, %dma_start3A_707] : memref<1008x128xf32, #tpu.memory_space<vmem_shared>> -> memref<1008x128xf32, #tpu.memory_space<vmem_shared>>
      tpu.enqueue_indirect_dma source(%dma_start3A_708 : memref<1008x128xf32, #tpu.memory_space<vmem_shared>>) target(%dma_start3A_704 : memref<128x128xf32, #tpu.memory_space<vmem>>) offsets(%dma_start3A_705 : memref<128xi32, #tpu.memory_space<vmem>>) semaphore(%arg9 : memref<!tpu.dma_semaphore, #tpu.memory_space<semaphore_mem>>)
      %dma_wait3A_709 = arith.constant 4 : i32
      %dma_wait3A_710 = arith.constant 0 : i32
      %dma_wait3A_711 = arith.constant 0 : i32
      %dma_wait3A_712 = tpu.memref_slice %arg6[%dma_wait3A_709, %dma_wait3A_710, %dma_wait3A_711] : memref<5x128x128xf32, #tpu.memory_space<vmem>> -> memref<1x128x128xf32, #tpu.memory_space<vmem>>
      %dma_wait3A_713 = tpu.memref_squeeze %dma_wait3A_712 : memref<1x128x128xf32, #tpu.memory_space<vmem>> -> memref<128x128xf32, #tpu.memory_space<vmem>>
      %dma_wait3A_714 = arith.constant 0 : i32
      %dma_wait3A_715 = arith.constant 0 : i32
      %dma_wait3A_716 = tpu.memref_slice %arg3[%dma_wait3A_714, %dma_wait3A_715] : memref<1000x128xf32, #tpu.memory_space<hbm>> -> memref<128x128xf32, #tpu.memory_space<hbm>>
      %dma_wait3A_717 = arith.constant 0 : i32
      %dma_wait3A_718 = arith.constant 0 : i32
      %dma_wait3A_719 = tpu.memref_slice %arg6[%dma_wait3A_709, %dma_wait3A_717, %dma_wait3A_718] : memref<5x128x128xf32, #tpu.memory_space<vmem>> -> memref<1x128x128xf32, #tpu.memory_space<vmem>>
      %dma_wait3A_720 = tpu.memref_squeeze %dma_wait3A_719 : memref<1x128x128xf32, #tpu.memory_space<vmem>> -> memref<128x128xf32, #tpu.memory_space<vmem>>
      %dma_wait3A_721 = arith.constant 0 : i32
      %dma_wait3A_722 = arith.constant 0 : i32
      %dma_wait3A_723 = tpu.memref_slice %arg3[%dma_wait3A_721, %dma_wait3A_722] : memref<1000x128xf32, #tpu.memory_space<hbm>> -> memref<128x128xf32, #tpu.memory_space<hbm>>
      tpu.wait_dma2 semaphore(%arg12 : memref<!tpu.dma_semaphore, #tpu.memory_space<semaphore_mem>>) src(%dma_wait3A_723 : memref<128x128xf32, #tpu.memory_space<hbm>>) dst(%dma_wait3A_720 : memref<128x128xf32, #tpu.memory_space<vmem>>)
      %sub3A_724 = arith.constant 2 : i32
      %sub3A_725 = arith.subi %add3A_684, %sub3A_724 : i32
      %mul3A_726 = arith.constant 128 : i32
      %mul3A_727 = arith.muli %sub3A_725, %mul3A_726 : i32
      %add3A_728 = arith.addi %mul3A_2, %mul3A_727 : i32
      %dma_start3A_729 = arith.constant 4 : i32
      %dma_start3A_730 = arith.constant 0 : i32
      %dma_start3A_731 = arith.constant 0 : i32
      %dma_start3A_732 = tpu.memref_slice %arg6[%dma_start3A_729, %dma_start3A_730, %dma_start3A_731] : memref<5x128x128xf32, #tpu.memory_space<vmem>> -> memref<1x128x128xf32, #tpu.memory_space<vmem>>
      %dma_start3A_733 = tpu.memref_squeeze %dma_start3A_732 : memref<1x128x128xf32, #tpu.memory_space<vmem>> -> memref<128x128xf32, #tpu.memory_space<vmem>>
      %dma_start3A_734 = arith.constant 0 : i32
      %dma_start3A_735 = tpu.memref_slice %arg4[%add3A_728, %dma_start3A_734] : memref<204800x128xf32, #tpu.memory_space<hbm>> -> memref<128x128xf32, #tpu.memory_space<hbm>>
      %dma_start3A_736 = arith.constant 0 : i32
      %dma_start3A_737 = tpu.memref_slice %arg4[%add3A_728, %dma_start3A_736] : memref<204800x128xf32, #tpu.memory_space<hbm>> -> memref<128x128xf32, #tpu.memory_space<hbm>>
      %dma_start3A_738 = arith.constant 0 : i32
      %dma_start3A_739 = arith.constant 0 : i32
      %dma_start3A_740 = tpu.memref_slice %arg6[%dma_start3A_729, %dma_start3A_738, %dma_start3A_739] : memref<5x128x128xf32, #tpu.memory_space<vmem>> -> memref<1x128x128xf32, #tpu.memory_space<vmem>>
      %dma_start3A_741 = tpu.memref_squeeze %dma_start3A_740 : memref<1x128x128xf32, #tpu.memory_space<vmem>> -> memref<128x128xf32, #tpu.memory_space<vmem>>
      tpu.enqueue_dma source(%dma_start3A_741 : memref<128x128xf32, #tpu.memory_space<vmem>>) target(%dma_start3A_737 : memref<128x128xf32, #tpu.memory_space<hbm>>) target_semaphore(%arg17 : memref<!tpu.dma_semaphore, #tpu.memory_space<semaphore_mem>>)
      %mul3A_742 = arith.constant 5 : i32
      %mul3A_743 = arith.muli %add3A_616, %mul3A_742 : i32
      %add3A_744 = arith.constant 5 : i32
      %add3A_745 = arith.addi %add3A_744, %mul3A_743 : i32
      %add3A_746 = arith.constant 2 : i32
      %add3A_747 = arith.addi %add3A_745, %add3A_746 : i32
      %dma_wait3A_748 = arith.constant 2 : i32
      %dma_wait3A_749 = arith.constant 0 : i32
      %dma_wait3A_750 = arith.constant 0 : i32
      %dma_wait3A_751 = tpu.memref_slice %arg6[%dma_wait3A_748, %dma_wait3A_749, %dma_wait3A_750] : memref<5x128x128xf32, #tpu.memory_space<vmem>> -> memref<1x128x128xf32, #tpu.memory_space<vmem>>
      %dma_wait3A_752 = tpu.memref_squeeze %dma_wait3A_751 : memref<1x128x128xf32, #tpu.memory_space<vmem>> -> memref<128x128xf32, #tpu.memory_space<vmem>>
      %dma_wait3A_753 = arith.constant 0 : i32
      %dma_wait3A_754 = tpu.memref_slice %arg4[%mul3A_2, %dma_wait3A_753] : memref<204800x128xf32, #tpu.memory_space<hbm>> -> memref<128x128xf32, #tpu.memory_space<hbm>>
      %dma_wait3A_755 = arith.constant 0 : i32
      %dma_wait3A_756 = tpu.memref_slice %arg4[%mul3A_2, %dma_wait3A_755] : memref<204800x128xf32, #tpu.memory_space<hbm>> -> memref<128x128xf32, #tpu.memory_space<hbm>>
      %dma_wait3A_757 = arith.constant 0 : i32
      %dma_wait3A_758 = arith.constant 0 : i32
      %dma_wait3A_759 = tpu.memref_slice %arg6[%dma_wait3A_748, %dma_wait3A_757, %dma_wait3A_758] : memref<5x128x128xf32, #tpu.memory_space<vmem>> -> memref<1x128x128xf32, #tpu.memory_space<vmem>>
      %dma_wait3A_760 = tpu.memref_squeeze %dma_wait3A_759 : memref<1x128x128xf32, #tpu.memory_space<vmem>> -> memref<128x128xf32, #tpu.memory_space<vmem>>
      tpu.wait_dma2 semaphore(%arg15 : memref<!tpu.dma_semaphore, #tpu.memory_space<semaphore_mem>>) src(%dma_wait3A_760 : memref<128x128xf32, #tpu.memory_space<vmem>>) dst(%dma_wait3A_756 : memref<128x128xf32, #tpu.memory_space<hbm>>)
      %mul3A_761 = arith.constant 128 : i32
      %mul3A_762 = arith.muli %add3A_747, %mul3A_761 : i32
      %dma_start3A_763 = arith.constant 2 : i32
      %dma_start3A_764 = arith.constant 0 : i32
      %dma_start3A_765 = arith.constant 0 : i32
      %dma_start3A_766 = tpu.memref_slice %arg6[%dma_start3A_763, %dma_start3A_764, %dma_start3A_765] : memref<5x128x128xf32, #tpu.memory_space<vmem>> -> memref<1x128x128xf32, #tpu.memory_space<vmem>>
      %dma_start3A_767 = tpu.memref_squeeze %dma_start3A_766 : memref<1x128x128xf32, #tpu.memory_space<vmem>> -> memref<128x128xf32, #tpu.memory_space<vmem>>
      %dma_start3A_768 = tpu.memref_slice %arg5[%mul3A_762] : memref<6400xi32, #tpu.memory_space<vmem>> -> memref<128xi32, #tpu.memory_space<vmem>>
      %dma_start3A_769 = arith.constant 0 : i32
      %dma_start3A_770 = arith.constant 0 : i32
      %dma_start3A_771 = tpu.memref_slice %arg7[%dma_start3A_769, %dma_start3A_770] : memref<1008x128xf32, #tpu.memory_space<vmem_shared>> -> memref<1008x128xf32, #tpu.memory_space<vmem_shared>>
      tpu.enqueue_indirect_dma source(%dma_start3A_771 : memref<1008x128xf32, #tpu.memory_space<vmem_shared>>) target(%dma_start3A_767 : memref<128x128xf32, #tpu.memory_space<vmem>>) offsets(%dma_start3A_768 : memref<128xi32, #tpu.memory_space<vmem>>) semaphore(%arg10 : memref<!tpu.dma_semaphore, #tpu.memory_space<semaphore_mem>>)
      %dma_wait3A_772 = arith.constant 0 : i32
      %dma_wait3A_773 = arith.constant 0 : i32
      %dma_wait3A_774 = arith.constant 0 : i32
      %dma_wait3A_775 = tpu.memref_slice %arg6[%dma_wait3A_772, %dma_wait3A_773, %dma_wait3A_774] : memref<5x128x128xf32, #tpu.memory_space<vmem>> -> memref<1x128x128xf32, #tpu.memory_space<vmem>>
      %dma_wait3A_776 = tpu.memref_squeeze %dma_wait3A_775 : memref<1x128x128xf32, #tpu.memory_space<vmem>> -> memref<128x128xf32, #tpu.memory_space<vmem>>
      %dma_wait3A_777 = arith.constant 0 : i32
      %dma_wait3A_778 = arith.constant 0 : i32
      %dma_wait3A_779 = tpu.memref_slice %arg3[%dma_wait3A_777, %dma_wait3A_778] : memref<1000x128xf32, #tpu.memory_space<hbm>> -> memref<128x128xf32, #tpu.memory_space<hbm>>
      %dma_wait3A_780 = arith.constant 0 : i32
      %dma_wait3A_781 = arith.constant 0 : i32
      %dma_wait3A_782 = tpu.memref_slice %arg6[%dma_wait3A_772, %dma_wait3A_780, %dma_wait3A_781] : memref<5x128x128xf32, #tpu.memory_space<vmem>> -> memref<1x128x128xf32, #tpu.memory_space<vmem>>
      %dma_wait3A_783 = tpu.memref_squeeze %dma_wait3A_782 : memref<1x128x128xf32, #tpu.memory_space<vmem>> -> memref<128x128xf32, #tpu.memory_space<vmem>>
      %dma_wait3A_784 = arith.constant 0 : i32
      %dma_wait3A_785 = arith.constant 0 : i32
      %dma_wait3A_786 = tpu.memref_slice %arg3[%dma_wait3A_784, %dma_wait3A_785] : memref<1000x128xf32, #tpu.memory_space<hbm>> -> memref<128x128xf32, #tpu.memory_space<hbm>>
      tpu.wait_dma2 semaphore(%arg8 : memref<!tpu.dma_semaphore, #tpu.memory_space<semaphore_mem>>) src(%dma_wait3A_786 : memref<128x128xf32, #tpu.memory_space<hbm>>) dst(%dma_wait3A_783 : memref<128x128xf32, #tpu.memory_space<vmem>>)
      %sub3A_787 = arith.constant 2 : i32
      %sub3A_788 = arith.subi %add3A_747, %sub3A_787 : i32
      %mul3A_789 = arith.constant 128 : i32
      %mul3A_790 = arith.muli %sub3A_788, %mul3A_789 : i32
      %add3A_791 = arith.addi %mul3A_2, %mul3A_790 : i32
      %dma_start3A_792 = arith.constant 0 : i32
      %dma_start3A_793 = arith.constant 0 : i32
      %dma_start3A_794 = arith.constant 0 : i32
      %dma_start3A_795 = tpu.memref_slice %arg6[%dma_start3A_792, %dma_start3A_793, %dma_start3A_794] : memref<5x128x128xf32, #tpu.memory_space<vmem>> -> memref<1x128x128xf32, #tpu.memory_space<vmem>>
      %dma_start3A_796 = tpu.memref_squeeze %dma_start3A_795 : memref<1x128x128xf32, #tpu.memory_space<vmem>> -> memref<128x128xf32, #tpu.memory_space<vmem>>
      %dma_start3A_797 = arith.constant 0 : i32
      %dma_start3A_798 = tpu.memref_slice %arg4[%add3A_791, %dma_start3A_797] : memref<204800x128xf32, #tpu.memory_space<hbm>> -> memref<128x128xf32, #tpu.memory_space<hbm>>
      %dma_start3A_799 = arith.constant 0 : i32
      %dma_start3A_800 = tpu.memref_slice %arg4[%add3A_791, %dma_start3A_799] : memref<204800x128xf32, #tpu.memory_space<hbm>> -> memref<128x128xf32, #tpu.memory_space<hbm>>
      %dma_start3A_801 = arith.constant 0 : i32
      %dma_start3A_802 = arith.constant 0 : i32
      %dma_start3A_803 = tpu.memref_slice %arg6[%dma_start3A_792, %dma_start3A_801, %dma_start3A_802] : memref<5x128x128xf32, #tpu.memory_space<vmem>> -> memref<1x128x128xf32, #tpu.memory_space<vmem>>
      %dma_start3A_804 = tpu.memref_squeeze %dma_start3A_803 : memref<1x128x128xf32, #tpu.memory_space<vmem>> -> memref<128x128xf32, #tpu.memory_space<vmem>>
      tpu.enqueue_dma source(%dma_start3A_804 : memref<128x128xf32, #tpu.memory_space<vmem>>) target(%dma_start3A_800 : memref<128x128xf32, #tpu.memory_space<hbm>>) target_semaphore(%arg13 : memref<!tpu.dma_semaphore, #tpu.memory_space<semaphore_mem>>)
      %mul3A_805 = arith.constant 5 : i32
      %mul3A_806 = arith.muli %add3A_616, %mul3A_805 : i32
      %add3A_807 = arith.constant 5 : i32
      %add3A_808 = arith.addi %add3A_807, %mul3A_806 : i32
      %add3A_809 = arith.constant 3 : i32
      %add3A_810 = arith.addi %add3A_808, %add3A_809 : i32
      %dma_wait3A_811 = arith.constant 3 : i32
      %dma_wait3A_812 = arith.constant 0 : i32
      %dma_wait3A_813 = arith.constant 0 : i32
      %dma_wait3A_814 = tpu.memref_slice %arg6[%dma_wait3A_811, %dma_wait3A_812, %dma_wait3A_813] : memref<5x128x128xf32, #tpu.memory_space<vmem>> -> memref<1x128x128xf32, #tpu.memory_space<vmem>>
      %dma_wait3A_815 = tpu.memref_squeeze %dma_wait3A_814 : memref<1x128x128xf32, #tpu.memory_space<vmem>> -> memref<128x128xf32, #tpu.memory_space<vmem>>
      %dma_wait3A_816 = arith.constant 0 : i32
      %dma_wait3A_817 = tpu.memref_slice %arg4[%mul3A_2, %dma_wait3A_816] : memref<204800x128xf32, #tpu.memory_space<hbm>> -> memref<128x128xf32, #tpu.memory_space<hbm>>
      %dma_wait3A_818 = arith.constant 0 : i32
      %dma_wait3A_819 = tpu.memref_slice %arg4[%mul3A_2, %dma_wait3A_818] : memref<204800x128xf32, #tpu.memory_space<hbm>> -> memref<128x128xf32, #tpu.memory_space<hbm>>
      %dma_wait3A_820 = arith.constant 0 : i32
      %dma_wait3A_821 = arith.constant 0 : i32
      %dma_wait3A_822 = tpu.memref_slice %arg6[%dma_wait3A_811, %dma_wait3A_820, %dma_wait3A_821] : memref<5x128x128xf32, #tpu.memory_space<vmem>> -> memref<1x128x128xf32, #tpu.memory_space<vmem>>
      %dma_wait3A_823 = tpu.memref_squeeze %dma_wait3A_822 : memref<1x128x128xf32, #tpu.memory_space<vmem>> -> memref<128x128xf32, #tpu.memory_space<vmem>>
      tpu.wait_dma2 semaphore(%arg16 : memref<!tpu.dma_semaphore, #tpu.memory_space<semaphore_mem>>) src(%dma_wait3A_823 : memref<128x128xf32, #tpu.memory_space<vmem>>) dst(%dma_wait3A_819 : memref<128x128xf32, #tpu.memory_space<hbm>>)
      %mul3A_824 = arith.constant 128 : i32
      %mul3A_825 = arith.muli %add3A_810, %mul3A_824 : i32
      %dma_start3A_826 = arith.constant 3 : i32
      %dma_start3A_827 = arith.constant 0 : i32
      %dma_start3A_828 = arith.constant 0 : i32
      %dma_start3A_829 = tpu.memref_slice %arg6[%dma_start3A_826, %dma_start3A_827, %dma_start3A_828] : memref<5x128x128xf32, #tpu.memory_space<vmem>> -> memref<1x128x128xf32, #tpu.memory_space<vmem>>
      %dma_start3A_830 = tpu.memref_squeeze %dma_start3A_829 : memref<1x128x128xf32, #tpu.memory_space<vmem>> -> memref<128x128xf32, #tpu.memory_space<vmem>>
      %dma_start3A_831 = tpu.memref_slice %arg5[%mul3A_825] : memref<6400xi32, #tpu.memory_space<vmem>> -> memref<128xi32, #tpu.memory_space<vmem>>
      %dma_start3A_832 = arith.constant 0 : i32
      %dma_start3A_833 = arith.constant 0 : i32
      %dma_start3A_834 = tpu.memref_slice %arg7[%dma_start3A_832, %dma_start3A_833] : memref<1008x128xf32, #tpu.memory_space<vmem_shared>> -> memref<1008x128xf32, #tpu.memory_space<vmem_shared>>
      tpu.enqueue_indirect_dma source(%dma_start3A_834 : memref<1008x128xf32, #tpu.memory_space<vmem_shared>>) target(%dma_start3A_830 : memref<128x128xf32, #tpu.memory_space<vmem>>) offsets(%dma_start3A_831 : memref<128xi32, #tpu.memory_space<vmem>>) semaphore(%arg11 : memref<!tpu.dma_semaphore, #tpu.memory_space<semaphore_mem>>)
      %dma_wait3A_835 = arith.constant 1 : i32
      %dma_wait3A_836 = arith.constant 0 : i32
      %dma_wait3A_837 = arith.constant 0 : i32
      %dma_wait3A_838 = tpu.memref_slice %arg6[%dma_wait3A_835, %dma_wait3A_836, %dma_wait3A_837] : memref<5x128x128xf32, #tpu.memory_space<vmem>> -> memref<1x128x128xf32, #tpu.memory_space<vmem>>
      %dma_wait3A_839 = tpu.memref_squeeze %dma_wait3A_838 : memref<1x128x128xf32, #tpu.memory_space<vmem>> -> memref<128x128xf32, #tpu.memory_space<vmem>>
      %dma_wait3A_840 = arith.constant 0 : i32
      %dma_wait3A_841 = arith.constant 0 : i32
      %dma_wait3A_842 = tpu.memref_slice %arg3[%dma_wait3A_840, %dma_wait3A_841] : memref<1000x128xf32, #tpu.memory_space<hbm>> -> memref<128x128xf32, #tpu.memory_space<hbm>>
      %dma_wait3A_843 = arith.constant 0 : i32
      %dma_wait3A_844 = arith.constant 0 : i32
      %dma_wait3A_845 = tpu.memref_slice %arg6[%dma_wait3A_835, %dma_wait3A_843, %dma_wait3A_844] : memref<5x128x128xf32, #tpu.memory_space<vmem>> -> memref<1x128x128xf32, #tpu.memory_space<vmem>>
      %dma_wait3A_846 = tpu.memref_squeeze %dma_wait3A_845 : memref<1x128x128xf32, #tpu.memory_space<vmem>> -> memref<128x128xf32, #tpu.memory_space<vmem>>
      %dma_wait3A_847 = arith.constant 0 : i32
      %dma_wait3A_848 = arith.constant 0 : i32
      %dma_wait3A_849 = tpu.memref_slice %arg3[%dma_wait3A_847, %dma_wait3A_848] : memref<1000x128xf32, #tpu.memory_space<hbm>> -> memref<128x128xf32, #tpu.memory_space<hbm>>
      tpu.wait_dma2 semaphore(%arg9 : memref<!tpu.dma_semaphore, #tpu.memory_space<semaphore_mem>>) src(%dma_wait3A_849 : memref<128x128xf32, #tpu.memory_space<hbm>>) dst(%dma_wait3A_846 : memref<128x128xf32, #tpu.memory_space<vmem>>)
      %sub3A_850 = arith.constant 2 : i32
      %sub3A_851 = arith.subi %add3A_810, %sub3A_850 : i32
      %mul3A_852 = arith.constant 128 : i32
      %mul3A_853 = arith.muli %sub3A_851, %mul3A_852 : i32
      %add3A_854 = arith.addi %mul3A_2, %mul3A_853 : i32
      %dma_start3A_855 = arith.constant 1 : i32
      %dma_start3A_856 = arith.constant 0 : i32
      %dma_start3A_857 = arith.constant 0 : i32
      %dma_start3A_858 = tpu.memref_slice %arg6[%dma_start3A_855, %dma_start3A_856, %dma_start3A_857] : memref<5x128x128xf32, #tpu.memory_space<vmem>> -> memref<1x128x128xf32, #tpu.memory_space<vmem>>
      %dma_start3A_859 = tpu.memref_squeeze %dma_start3A_858 : memref<1x128x128xf32, #tpu.memory_space<vmem>> -> memref<128x128xf32, #tpu.memory_space<vmem>>
      %dma_start3A_860 = arith.constant 0 : i32
      %dma_start3A_861 = tpu.memref_slice %arg4[%add3A_854, %dma_start3A_860] : memref<204800x128xf32, #tpu.memory_space<hbm>> -> memref<128x128xf32, #tpu.memory_space<hbm>>
      %dma_start3A_862 = arith.constant 0 : i32
      %dma_start3A_863 = tpu.memref_slice %arg4[%add3A_854, %dma_start3A_862] : memref<204800x128xf32, #tpu.memory_space<hbm>> -> memref<128x128xf32, #tpu.memory_space<hbm>>
      %dma_start3A_864 = arith.constant 0 : i32
      %dma_start3A_865 = arith.constant 0 : i32
      %dma_start3A_866 = tpu.memref_slice %arg6[%dma_start3A_855, %dma_start3A_864, %dma_start3A_865] : memref<5x128x128xf32, #tpu.memory_space<vmem>> -> memref<1x128x128xf32, #tpu.memory_space<vmem>>
      %dma_start3A_867 = tpu.memref_squeeze %dma_start3A_866 : memref<1x128x128xf32, #tpu.memory_space<vmem>> -> memref<128x128xf32, #tpu.memory_space<vmem>>
      tpu.enqueue_dma source(%dma_start3A_867 : memref<128x128xf32, #tpu.memory_space<vmem>>) target(%dma_start3A_863 : memref<128x128xf32, #tpu.memory_space<hbm>>) target_semaphore(%arg14 : memref<!tpu.dma_semaphore, #tpu.memory_space<semaphore_mem>>)
      %mul3A_868 = arith.constant 5 : i32
      %mul3A_869 = arith.muli %add3A_616, %mul3A_868 : i32
      %add3A_870 = arith.constant 5 : i32
      %add3A_871 = arith.addi %add3A_870, %mul3A_869 : i32
      %add3A_872 = arith.constant 4 : i32
      %add3A_873 = arith.addi %add3A_871, %add3A_872 : i32
      %dma_wait3A_874 = arith.constant 4 : i32
      %dma_wait3A_875 = arith.constant 0 : i32
      %dma_wait3A_876 = arith.constant 0 : i32
      %dma_wait3A_877 = tpu.memref_slice %arg6[%dma_wait3A_874, %dma_wait3A_875, %dma_wait3A_876] : memref<5x128x128xf32, #tpu.memory_space<vmem>> -> memref<1x128x128xf32, #tpu.memory_space<vmem>>
      %dma_wait3A_878 = tpu.memref_squeeze %dma_wait3A_877 : memref<1x128x128xf32, #tpu.memory_space<vmem>> -> memref<128x128xf32, #tpu.memory_space<vmem>>
      %dma_wait3A_879 = arith.constant 0 : i32
      %dma_wait3A_880 = tpu.memref_slice %arg4[%mul3A_2, %dma_wait3A_879] : memref<204800x128xf32, #tpu.memory_space<hbm>> -> memref<128x128xf32, #tpu.memory_space<hbm>>
      %dma_wait3A_881 = arith.constant 0 : i32
      %dma_wait3A_882 = tpu.memref_slice %arg4[%mul3A_2, %dma_wait3A_881] : memref<204800x128xf32, #tpu.memory_space<hbm>> -> memref<128x128xf32, #tpu.memory_space<hbm>>
      %dma_wait3A_883 = arith.constant 0 : i32
      %dma_wait3A_884 = arith.constant 0 : i32
      %dma_wait3A_885 = tpu.memref_slice %arg6[%dma_wait3A_874, %dma_wait3A_883, %dma_wait3A_884] : memref<5x128x128xf32, #tpu.memory_space<vmem>> -> memref<1x128x128xf32, #tpu.memory_space<vmem>>
      %dma_wait3A_886 = tpu.memref_squeeze %dma_wait3A_885 : memref<1x128x128xf32, #tpu.memory_space<vmem>> -> memref<128x128xf32, #tpu.memory_space<vmem>>
      tpu.wait_dma2 semaphore(%arg17 : memref<!tpu.dma_semaphore, #tpu.memory_space<semaphore_mem>>) src(%dma_wait3A_886 : memref<128x128xf32, #tpu.memory_space<vmem>>) dst(%dma_wait3A_882 : memref<128x128xf32, #tpu.memory_space<hbm>>)
      %mul3A_887 = arith.constant 128 : i32
      %mul3A_888 = arith.muli %add3A_873, %mul3A_887 : i32
      %dma_start3A_889 = arith.constant 4 : i32
      %dma_start3A_890 = arith.constant 0 : i32
      %dma_start3A_891 = arith.constant 0 : i32
      %dma_start3A_892 = tpu.memref_slice %arg6[%dma_start3A_889, %dma_start3A_890, %dma_start3A_891] : memref<5x128x128xf32, #tpu.memory_space<vmem>> -> memref<1x128x128xf32, #tpu.memory_space<vmem>>
      %dma_start3A_893 = tpu.memref_squeeze %dma_start3A_892 : memref<1x128x128xf32, #tpu.memory_space<vmem>> -> memref<128x128xf32, #tpu.memory_space<vmem>>
      %dma_start3A_894 = tpu.memref_slice %arg5[%mul3A_888] : memref<6400xi32, #tpu.memory_space<vmem>> -> memref<128xi32, #tpu.memory_space<vmem>>
      %dma_start3A_895 = arith.constant 0 : i32
      %dma_start3A_896 = arith.constant 0 : i32
      %dma_start3A_897 = tpu.memref_slice %arg7[%dma_start3A_895, %dma_start3A_896] : memref<1008x128xf32, #tpu.memory_space<vmem_shared>> -> memref<1008x128xf32, #tpu.memory_space<vmem_shared>>
      tpu.enqueue_indirect_dma source(%dma_start3A_897 : memref<1008x128xf32, #tpu.memory_space<vmem_shared>>) target(%dma_start3A_893 : memref<128x128xf32, #tpu.memory_space<vmem>>) offsets(%dma_start3A_894 : memref<128xi32, #tpu.memory_space<vmem>>) semaphore(%arg12 : memref<!tpu.dma_semaphore, #tpu.memory_space<semaphore_mem>>)
      %dma_wait3A_898 = arith.constant 2 : i32
      %dma_wait3A_899 = arith.constant 0 : i32
      %dma_wait3A_900 = arith.constant 0 : i32
      %dma_wait3A_901 = tpu.memref_slice %arg6[%dma_wait3A_898, %dma_wait3A_899, %dma_wait3A_900] : memref<5x128x128xf32, #tpu.memory_space<vmem>> -> memref<1x128x128xf32, #tpu.memory_space<vmem>>
      %dma_wait3A_902 = tpu.memref_squeeze %dma_wait3A_901 : memref<1x128x128xf32, #tpu.memory_space<vmem>> -> memref<128x128xf32, #tpu.memory_space<vmem>>
      %dma_wait3A_903 = arith.constant 0 : i32
      %dma_wait3A_904 = arith.constant 0 : i32
      %dma_wait3A_905 = tpu.memref_slice %arg3[%dma_wait3A_903, %dma_wait3A_904] : memref<1000x128xf32, #tpu.memory_space<hbm>> -> memref<128x128xf32, #tpu.memory_space<hbm>>
      %dma_wait3A_906 = arith.constant 0 : i32
      %dma_wait3A_907 = arith.constant 0 : i32
      %dma_wait3A_908 = tpu.memref_slice %arg6[%dma_wait3A_898, %dma_wait3A_906, %dma_wait3A_907] : memref<5x128x128xf32, #tpu.memory_space<vmem>> -> memref<1x128x128xf32, #tpu.memory_space<vmem>>
      %dma_wait3A_909 = tpu.memref_squeeze %dma_wait3A_908 : memref<1x128x128xf32, #tpu.memory_space<vmem>> -> memref<128x128xf32, #tpu.memory_space<vmem>>
      %dma_wait3A_910 = arith.constant 0 : i32
      %dma_wait3A_911 = arith.constant 0 : i32
      %dma_wait3A_912 = tpu.memref_slice %arg3[%dma_wait3A_910, %dma_wait3A_911] : memref<1000x128xf32, #tpu.memory_space<hbm>> -> memref<128x128xf32, #tpu.memory_space<hbm>>
      tpu.wait_dma2 semaphore(%arg10 : memref<!tpu.dma_semaphore, #tpu.memory_space<semaphore_mem>>) src(%dma_wait3A_912 : memref<128x128xf32, #tpu.memory_space<hbm>>) dst(%dma_wait3A_909 : memref<128x128xf32, #tpu.memory_space<vmem>>)
      %sub3A_913 = arith.constant 2 : i32
      %sub3A_914 = arith.subi %add3A_873, %sub3A_913 : i32
      %mul3A_915 = arith.constant 128 : i32
      %mul3A_916 = arith.muli %sub3A_914, %mul3A_915 : i32
      %add3A_917 = arith.addi %mul3A_2, %mul3A_916 : i32
      %dma_start3A_918 = arith.constant 2 : i32
      %dma_start3A_919 = arith.constant 0 : i32
      %dma_start3A_920 = arith.constant 0 : i32
      %dma_start3A_921 = tpu.memref_slice %arg6[%dma_start3A_918, %dma_start3A_919, %dma_start3A_920] : memref<5x128x128xf32, #tpu.memory_space<vmem>> -> memref<1x128x128xf32, #tpu.memory_space<vmem>>
      %dma_start3A_922 = tpu.memref_squeeze %dma_start3A_921 : memref<1x128x128xf32, #tpu.memory_space<vmem>> -> memref<128x128xf32, #tpu.memory_space<vmem>>
      %dma_start3A_923 = arith.constant 0 : i32
      %dma_start3A_924 = tpu.memref_slice %arg4[%add3A_917, %dma_start3A_923] : memref<204800x128xf32, #tpu.memory_space<hbm>> -> memref<128x128xf32, #tpu.memory_space<hbm>>
      %dma_start3A_925 = arith.constant 0 : i32
      %dma_start3A_926 = tpu.memref_slice %arg4[%add3A_917, %dma_start3A_925] : memref<204800x128xf32, #tpu.memory_space<hbm>> -> memref<128x128xf32, #tpu.memory_space<hbm>>
      %dma_start3A_927 = arith.constant 0 : i32
      %dma_start3A_928 = arith.constant 0 : i32
      %dma_start3A_929 = tpu.memref_slice %arg6[%dma_start3A_918, %dma_start3A_927, %dma_start3A_928] : memref<5x128x128xf32, #tpu.memory_space<vmem>> -> memref<1x128x128xf32, #tpu.memory_space<vmem>>
      %dma_start3A_930 = tpu.memref_squeeze %dma_start3A_929 : memref<1x128x128xf32, #tpu.memory_space<vmem>> -> memref<128x128xf32, #tpu.memory_space<vmem>>
      tpu.enqueue_dma source(%dma_start3A_930 : memref<128x128xf32, #tpu.memory_space<vmem>>) target(%dma_start3A_926 : memref<128x128xf32, #tpu.memory_space<hbm>>) target_semaphore(%arg15 : memref<!tpu.dma_semaphore, #tpu.memory_space<semaphore_mem>>)
    }
    %scan3A_221 = arith.constant 8 : i32
    %dma_wait3A_222 = arith.constant 0 : i32
    %dma_wait3A_223 = arith.constant 0 : i32
    %dma_wait3A_224 = arith.constant 0 : i32
    %dma_wait3A_225 = tpu.memref_slice %arg6[%dma_wait3A_222, %dma_wait3A_223, %dma_wait3A_224] : memref<5x128x128xf32, #tpu.memory_space<vmem>> -> memref<1x128x128xf32, #tpu.memory_space<vmem>>
    %dma_wait3A_226 = tpu.memref_squeeze %dma_wait3A_225 : memref<1x128x128xf32, #tpu.memory_space<vmem>> -> memref<128x128xf32, #tpu.memory_space<vmem>>
    %dma_wait3A_227 = arith.constant 0 : i32
    %dma_wait3A_228 = tpu.memref_slice %arg4[%mul3A_2, %dma_wait3A_227] : memref<204800x128xf32, #tpu.memory_space<hbm>> -> memref<128x128xf32, #tpu.memory_space<hbm>>
    %dma_wait3A_229 = arith.constant 0 : i32
    %dma_wait3A_230 = tpu.memref_slice %arg4[%mul3A_2, %dma_wait3A_229] : memref<204800x128xf32, #tpu.memory_space<hbm>> -> memref<128x128xf32, #tpu.memory_space<hbm>>
    %dma_wait3A_231 = arith.constant 0 : i32
    %dma_wait3A_232 = arith.constant 0 : i32
    %dma_wait3A_233 = tpu.memref_slice %arg6[%dma_wait3A_222, %dma_wait3A_231, %dma_wait3A_232] : memref<5x128x128xf32, #tpu.memory_space<vmem>> -> memref<1x128x128xf32, #tpu.memory_space<vmem>>
    %dma_wait3A_234 = tpu.memref_squeeze %dma_wait3A_233 : memref<1x128x128xf32, #tpu.memory_space<vmem>> -> memref<128x128xf32, #tpu.memory_space<vmem>>
    tpu.wait_dma2 semaphore(%arg13 : memref<!tpu.dma_semaphore, #tpu.memory_space<semaphore_mem>>) src(%dma_wait3A_234 : memref<128x128xf32, #tpu.memory_space<vmem>>) dst(%dma_wait3A_230 : memref<128x128xf32, #tpu.memory_space<hbm>>)
    %dma_start3A_235 = arith.constant 0 : i32
    %dma_start3A_236 = arith.constant 0 : i32
    %dma_start3A_237 = arith.constant 0 : i32
    %dma_start3A_238 = tpu.memref_slice %arg6[%dma_start3A_235, %dma_start3A_236, %dma_start3A_237] : memref<5x128x128xf32, #tpu.memory_space<vmem>> -> memref<1x128x128xf32, #tpu.memory_space<vmem>>
    %dma_start3A_239 = tpu.memref_squeeze %dma_start3A_238 : memref<1x128x128xf32, #tpu.memory_space<vmem>> -> memref<128x128xf32, #tpu.memory_space<vmem>>
    %dma_start3A_240 = arith.constant 5760 : i32
    %dma_start3A_241 = tpu.memref_slice %arg5[%dma_start3A_240] : memref<6400xi32, #tpu.memory_space<vmem>> -> memref<128xi32, #tpu.memory_space<vmem>>
    %dma_start3A_242 = arith.constant 0 : i32
    %dma_start3A_243 = arith.constant 0 : i32
    %dma_start3A_244 = tpu.memref_slice %arg7[%dma_start3A_242, %dma_start3A_243] : memref<1008x128xf32, #tpu.memory_space<vmem_shared>> -> memref<1008x128xf32, #tpu.memory_space<vmem_shared>>
    tpu.enqueue_indirect_dma source(%dma_start3A_244 : memref<1008x128xf32, #tpu.memory_space<vmem_shared>>) target(%dma_start3A_239 : memref<128x128xf32, #tpu.memory_space<vmem>>) offsets(%dma_start3A_241 : memref<128xi32, #tpu.memory_space<vmem>>) semaphore(%arg8 : memref<!tpu.dma_semaphore, #tpu.memory_space<semaphore_mem>>)
    %dma_wait3A_245 = arith.constant 3 : i32
    %dma_wait3A_246 = arith.constant 0 : i32
    %dma_wait3A_247 = arith.constant 0 : i32
    %dma_wait3A_248 = tpu.memref_slice %arg6[%dma_wait3A_245, %dma_wait3A_246, %dma_wait3A_247] : memref<5x128x128xf32, #tpu.memory_space<vmem>> -> memref<1x128x128xf32, #tpu.memory_space<vmem>>
    %dma_wait3A_249 = tpu.memref_squeeze %dma_wait3A_248 : memref<1x128x128xf32, #tpu.memory_space<vmem>> -> memref<128x128xf32, #tpu.memory_space<vmem>>
    %dma_wait3A_250 = arith.constant 0 : i32
    %dma_wait3A_251 = arith.constant 0 : i32
    %dma_wait3A_252 = tpu.memref_slice %arg3[%dma_wait3A_250, %dma_wait3A_251] : memref<1000x128xf32, #tpu.memory_space<hbm>> -> memref<128x128xf32, #tpu.memory_space<hbm>>
    %dma_wait3A_253 = arith.constant 0 : i32
    %dma_wait3A_254 = arith.constant 0 : i32
    %dma_wait3A_255 = tpu.memref_slice %arg6[%dma_wait3A_245, %dma_wait3A_253, %dma_wait3A_254] : memref<5x128x128xf32, #tpu.memory_space<vmem>> -> memref<1x128x128xf32, #tpu.memory_space<vmem>>
    %dma_wait3A_256 = tpu.memref_squeeze %dma_wait3A_255 : memref<1x128x128xf32, #tpu.memory_space<vmem>> -> memref<128x128xf32, #tpu.memory_space<vmem>>
    %dma_wait3A_257 = arith.constant 0 : i32
    %dma_wait3A_258 = arith.constant 0 : i32
    %dma_wait3A_259 = tpu.memref_slice %arg3[%dma_wait3A_257, %dma_wait3A_258] : memref<1000x128xf32, #tpu.memory_space<hbm>> -> memref<128x128xf32, #tpu.memory_space<hbm>>
    tpu.wait_dma2 semaphore(%arg11 : memref<!tpu.dma_semaphore, #tpu.memory_space<semaphore_mem>>) src(%dma_wait3A_259 : memref<128x128xf32, #tpu.memory_space<hbm>>) dst(%dma_wait3A_256 : memref<128x128xf32, #tpu.memory_space<vmem>>)
    %add3A_260 = arith.constant 5504 : i32
    %add3A_261 = arith.addi %mul3A_2, %add3A_260 : i32
    %dma_start3A_262 = arith.constant 3 : i32
    %dma_start3A_263 = arith.constant 0 : i32
    %dma_start3A_264 = arith.constant 0 : i32
    %dma_start3A_265 = tpu.memref_slice %arg6[%dma_start3A_262, %dma_start3A_263, %dma_start3A_264] : memref<5x128x128xf32, #tpu.memory_space<vmem>> -> memref<1x128x128xf32, #tpu.memory_space<vmem>>
    %dma_start3A_266 = tpu.memref_squeeze %dma_start3A_265 : memref<1x128x128xf32, #tpu.memory_space<vmem>> -> memref<128x128xf32, #tpu.memory_space<vmem>>
    %dma_start3A_267 = arith.constant 0 : i32
    %dma_start3A_268 = tpu.memref_slice %arg4[%add3A_261, %dma_start3A_267] : memref<204800x128xf32, #tpu.memory_space<hbm>> -> memref<128x128xf32, #tpu.memory_space<hbm>>
    %dma_start3A_269 = arith.constant 0 : i32
    %dma_start3A_270 = tpu.memref_slice %arg4[%add3A_261, %dma_start3A_269] : memref<204800x128xf32, #tpu.memory_space<hbm>> -> memref<128x128xf32, #tpu.memory_space<hbm>>
    %dma_start3A_271 = arith.constant 0 : i32
    %dma_start3A_272 = arith.constant 0 : i32
    %dma_start3A_273 = tpu.memref_slice %arg6[%dma_start3A_262, %dma_start3A_271, %dma_start3A_272] : memref<5x128x128xf32, #tpu.memory_space<vmem>> -> memref<1x128x128xf32, #tpu.memory_space<vmem>>
    %dma_start3A_274 = tpu.memref_squeeze %dma_start3A_273 : memref<1x128x128xf32, #tpu.memory_space<vmem>> -> memref<128x128xf32, #tpu.memory_space<vmem>>
    tpu.enqueue_dma source(%dma_start3A_274 : memref<128x128xf32, #tpu.memory_space<vmem>>) target(%dma_start3A_270 : memref<128x128xf32, #tpu.memory_space<hbm>>) target_semaphore(%arg16 : memref<!tpu.dma_semaphore, #tpu.memory_space<semaphore_mem>>)
    %dma_wait3A_275 = arith.constant 1 : i32
    %dma_wait3A_276 = arith.constant 0 : i32
    %dma_wait3A_277 = arith.constant 0 : i32
    %dma_wait3A_278 = tpu.memref_slice %arg6[%dma_wait3A_275, %dma_wait3A_276, %dma_wait3A_277] : memref<5x128x128xf32, #tpu.memory_space<vmem>> -> memref<1x128x128xf32, #tpu.memory_space<vmem>>
    %dma_wait3A_279 = tpu.memref_squeeze %dma_wait3A_278 : memref<1x128x128xf32, #tpu.memory_space<vmem>> -> memref<128x128xf32, #tpu.memory_space<vmem>>
    %dma_wait3A_280 = arith.constant 0 : i32
    %dma_wait3A_281 = tpu.memref_slice %arg4[%mul3A_2, %dma_wait3A_280] : memref<204800x128xf32, #tpu.memory_space<hbm>> -> memref<128x128xf32, #tpu.memory_space<hbm>>
    %dma_wait3A_282 = arith.constant 0 : i32
    %dma_wait3A_283 = tpu.memref_slice %arg4[%mul3A_2, %dma_wait3A_282] : memref<204800x128xf32, #tpu.memory_space<hbm>> -> memref<128x128xf32, #tpu.memory_space<hbm>>
    %dma_wait3A_284 = arith.constant 0 : i32
    %dma_wait3A_285 = arith.constant 0 : i32
    %dma_wait3A_286 = tpu.memref_slice %arg6[%dma_wait3A_275, %dma_wait3A_284, %dma_wait3A_285] : memref<5x128x128xf32, #tpu.memory_space<vmem>> -> memref<1x128x128xf32, #tpu.memory_space<vmem>>
    %dma_wait3A_287 = tpu.memref_squeeze %dma_wait3A_286 : memref<1x128x128xf32, #tpu.memory_space<vmem>> -> memref<128x128xf32, #tpu.memory_space<vmem>>
    tpu.wait_dma2 semaphore(%arg14 : memref<!tpu.dma_semaphore, #tpu.memory_space<semaphore_mem>>) src(%dma_wait3A_287 : memref<128x128xf32, #tpu.memory_space<vmem>>) dst(%dma_wait3A_283 : memref<128x128xf32, #tpu.memory_space<hbm>>)
    %dma_start3A_288 = arith.constant 1 : i32
    %dma_start3A_289 = arith.constant 0 : i32
    %dma_start3A_290 = arith.constant 0 : i32
    %dma_start3A_291 = tpu.memref_slice %arg6[%dma_start3A_288, %dma_start3A_289, %dma_start3A_290] : memref<5x128x128xf32, #tpu.memory_space<vmem>> -> memref<1x128x128xf32, #tpu.memory_space<vmem>>
    %dma_start3A_292 = tpu.memref_squeeze %dma_start3A_291 : memref<1x128x128xf32, #tpu.memory_space<vmem>> -> memref<128x128xf32, #tpu.memory_space<vmem>>
    %dma_start3A_293 = arith.constant 5888 : i32
    %dma_start3A_294 = tpu.memref_slice %arg5[%dma_start3A_293] : memref<6400xi32, #tpu.memory_space<vmem>> -> memref<128xi32, #tpu.memory_space<vmem>>
    %dma_start3A_295 = arith.constant 0 : i32
    %dma_start3A_296 = arith.constant 0 : i32
    %dma_start3A_297 = tpu.memref_slice %arg7[%dma_start3A_295, %dma_start3A_296] : memref<1008x128xf32, #tpu.memory_space<vmem_shared>> -> memref<1008x128xf32, #tpu.memory_space<vmem_shared>>
    tpu.enqueue_indirect_dma source(%dma_start3A_297 : memref<1008x128xf32, #tpu.memory_space<vmem_shared>>) target(%dma_start3A_292 : memref<128x128xf32, #tpu.memory_space<vmem>>) offsets(%dma_start3A_294 : memref<128xi32, #tpu.memory_space<vmem>>) semaphore(%arg9 : memref<!tpu.dma_semaphore, #tpu.memory_space<semaphore_mem>>)
    %dma_wait3A_298 = arith.constant 4 : i32
    %dma_wait3A_299 = arith.constant 0 : i32
    %dma_wait3A_300 = arith.constant 0 : i32
    %dma_wait3A_301 = tpu.memref_slice %arg6[%dma_wait3A_298, %dma_wait3A_299, %dma_wait3A_300] : memref<5x128x128xf32, #tpu.memory_space<vmem>> -> memref<1x128x128xf32, #tpu.memory_space<vmem>>
    %dma_wait3A_302 = tpu.memref_squeeze %dma_wait3A_301 : memref<1x128x128xf32, #tpu.memory_space<vmem>> -> memref<128x128xf32, #tpu.memory_space<vmem>>
    %dma_wait3A_303 = arith.constant 0 : i32
    %dma_wait3A_304 = arith.constant 0 : i32
    %dma_wait3A_305 = tpu.memref_slice %arg3[%dma_wait3A_303, %dma_wait3A_304] : memref<1000x128xf32, #tpu.memory_space<hbm>> -> memref<128x128xf32, #tpu.memory_space<hbm>>
    %dma_wait3A_306 = arith.constant 0 : i32
    %dma_wait3A_307 = arith.constant 0 : i32
    %dma_wait3A_308 = tpu.memref_slice %arg6[%dma_wait3A_298, %dma_wait3A_306, %dma_wait3A_307] : memref<5x128x128xf32, #tpu.memory_space<vmem>> -> memref<1x128x128xf32, #tpu.memory_space<vmem>>
    %dma_wait3A_309 = tpu.memref_squeeze %dma_wait3A_308 : memref<1x128x128xf32, #tpu.memory_space<vmem>> -> memref<128x128xf32, #tpu.memory_space<vmem>>
    %dma_wait3A_310 = arith.constant 0 : i32
    %dma_wait3A_311 = arith.constant 0 : i32
    %dma_wait3A_312 = tpu.memref_slice %arg3[%dma_wait3A_310, %dma_wait3A_311] : memref<1000x128xf32, #tpu.memory_space<hbm>> -> memref<128x128xf32, #tpu.memory_space<hbm>>
    tpu.wait_dma2 semaphore(%arg12 : memref<!tpu.dma_semaphore, #tpu.memory_space<semaphore_mem>>) src(%dma_wait3A_312 : memref<128x128xf32, #tpu.memory_space<hbm>>) dst(%dma_wait3A_309 : memref<128x128xf32, #tpu.memory_space<vmem>>)
    %add3A_313 = arith.constant 5632 : i32
    %add3A_314 = arith.addi %mul3A_2, %add3A_313 : i32
    %dma_start3A_315 = arith.constant 4 : i32
    %dma_start3A_316 = arith.constant 0 : i32
    %dma_start3A_317 = arith.constant 0 : i32
    %dma_start3A_318 = tpu.memref_slice %arg6[%dma_start3A_315, %dma_start3A_316, %dma_start3A_317] : memref<5x128x128xf32, #tpu.memory_space<vmem>> -> memref<1x128x128xf32, #tpu.memory_space<vmem>>
    %dma_start3A_319 = tpu.memref_squeeze %dma_start3A_318 : memref<1x128x128xf32, #tpu.memory_space<vmem>> -> memref<128x128xf32, #tpu.memory_space<vmem>>
    %dma_start3A_320 = arith.constant 0 : i32
    %dma_start3A_321 = tpu.memref_slice %arg4[%add3A_314, %dma_start3A_320] : memref<204800x128xf32, #tpu.memory_space<hbm>> -> memref<128x128xf32, #tpu.memory_space<hbm>>
    %dma_start3A_322 = arith.constant 0 : i32
    %dma_start3A_323 = tpu.memref_slice %arg4[%add3A_314, %dma_start3A_322] : memref<204800x128xf32, #tpu.memory_space<hbm>> -> memref<128x128xf32, #tpu.memory_space<hbm>>
    %dma_start3A_324 = arith.constant 0 : i32
    %dma_start3A_325 = arith.constant 0 : i32
    %dma_start3A_326 = tpu.memref_slice %arg6[%dma_start3A_315, %dma_start3A_324, %dma_start3A_325] : memref<5x128x128xf32, #tpu.memory_space<vmem>> -> memref<1x128x128xf32, #tpu.memory_space<vmem>>
    %dma_start3A_327 = tpu.memref_squeeze %dma_start3A_326 : memref<1x128x128xf32, #tpu.memory_space<vmem>> -> memref<128x128xf32, #tpu.memory_space<vmem>>
    tpu.enqueue_dma source(%dma_start3A_327 : memref<128x128xf32, #tpu.memory_space<vmem>>) target(%dma_start3A_323 : memref<128x128xf32, #tpu.memory_space<hbm>>) target_semaphore(%arg17 : memref<!tpu.dma_semaphore, #tpu.memory_space<semaphore_mem>>)
    %dma_wait3A_328 = arith.constant 2 : i32
    %dma_wait3A_329 = arith.constant 0 : i32
    %dma_wait3A_330 = arith.constant 0 : i32
    %dma_wait3A_331 = tpu.memref_slice %arg6[%dma_wait3A_328, %dma_wait3A_329, %dma_wait3A_330] : memref<5x128x128xf32, #tpu.memory_space<vmem>> -> memref<1x128x128xf32, #tpu.memory_space<vmem>>
    %dma_wait3A_332 = tpu.memref_squeeze %dma_wait3A_331 : memref<1x128x128xf32, #tpu.memory_space<vmem>> -> memref<128x128xf32, #tpu.memory_space<vmem>>
    %dma_wait3A_333 = arith.constant 0 : i32
    %dma_wait3A_334 = tpu.memref_slice %arg4[%mul3A_2, %dma_wait3A_333] : memref<204800x128xf32, #tpu.memory_space<hbm>> -> memref<128x128xf32, #tpu.memory_space<hbm>>
    %dma_wait3A_335 = arith.constant 0 : i32
    %dma_wait3A_336 = tpu.memref_slice %arg4[%mul3A_2, %dma_wait3A_335] : memref<204800x128xf32, #tpu.memory_space<hbm>> -> memref<128x128xf32, #tpu.memory_space<hbm>>
    %dma_wait3A_337 = arith.constant 0 : i32
    %dma_wait3A_338 = arith.constant 0 : i32
    %dma_wait3A_339 = tpu.memref_slice %arg6[%dma_wait3A_328, %dma_wait3A_337, %dma_wait3A_338] : memref<5x128x128xf32, #tpu.memory_space<vmem>> -> memref<1x128x128xf32, #tpu.memory_space<vmem>>
    %dma_wait3A_340 = tpu.memref_squeeze %dma_wait3A_339 : memref<1x128x128xf32, #tpu.memory_space<vmem>> -> memref<128x128xf32, #tpu.memory_space<vmem>>
    tpu.wait_dma2 semaphore(%arg15 : memref<!tpu.dma_semaphore, #tpu.memory_space<semaphore_mem>>) src(%dma_wait3A_340 : memref<128x128xf32, #tpu.memory_space<vmem>>) dst(%dma_wait3A_336 : memref<128x128xf32, #tpu.memory_space<hbm>>)
    %dma_start3A_341 = arith.constant 2 : i32
    %dma_start3A_342 = arith.constant 0 : i32
    %dma_start3A_343 = arith.constant 0 : i32
    %dma_start3A_344 = tpu.memref_slice %arg6[%dma_start3A_341, %dma_start3A_342, %dma_start3A_343] : memref<5x128x128xf32, #tpu.memory_space<vmem>> -> memref<1x128x128xf32, #tpu.memory_space<vmem>>
    %dma_start3A_345 = tpu.memref_squeeze %dma_start3A_344 : memref<1x128x128xf32, #tpu.memory_space<vmem>> -> memref<128x128xf32, #tpu.memory_space<vmem>>
    %dma_start3A_346 = arith.constant 6016 : i32
    %dma_start3A_347 = tpu.memref_slice %arg5[%dma_start3A_346] : memref<6400xi32, #tpu.memory_space<vmem>> -> memref<128xi32, #tpu.memory_space<vmem>>
    %dma_start3A_348 = arith.constant 0 : i32
    %dma_start3A_349 = arith.constant 0 : i32
    %dma_start3A_350 = tpu.memref_slice %arg7[%dma_start3A_348, %dma_start3A_349] : memref<1008x128xf32, #tpu.memory_space<vmem_shared>> -> memref<1008x128xf32, #tpu.memory_space<vmem_shared>>
    tpu.enqueue_indirect_dma source(%dma_start3A_350 : memref<1008x128xf32, #tpu.memory_space<vmem_shared>>) target(%dma_start3A_345 : memref<128x128xf32, #tpu.memory_space<vmem>>) offsets(%dma_start3A_347 : memref<128xi32, #tpu.memory_space<vmem>>) semaphore(%arg10 : memref<!tpu.dma_semaphore, #tpu.memory_space<semaphore_mem>>)
    %dma_wait3A_351 = arith.constant 0 : i32
    %dma_wait3A_352 = arith.constant 0 : i32
    %dma_wait3A_353 = arith.constant 0 : i32
    %dma_wait3A_354 = tpu.memref_slice %arg6[%dma_wait3A_351, %dma_wait3A_352, %dma_wait3A_353] : memref<5x128x128xf32, #tpu.memory_space<vmem>> -> memref<1x128x128xf32, #tpu.memory_space<vmem>>
    %dma_wait3A_355 = tpu.memref_squeeze %dma_wait3A_354 : memref<1x128x128xf32, #tpu.memory_space<vmem>> -> memref<128x128xf32, #tpu.memory_space<vmem>>
    %dma_wait3A_356 = arith.constant 0 : i32
    %dma_wait3A_357 = arith.constant 0 : i32
    %dma_wait3A_358 = tpu.memref_slice %arg3[%dma_wait3A_356, %dma_wait3A_357] : memref<1000x128xf32, #tpu.memory_space<hbm>> -> memref<128x128xf32, #tpu.memory_space<hbm>>
    %dma_wait3A_359 = arith.constant 0 : i32
    %dma_wait3A_360 = arith.constant 0 : i32
    %dma_wait3A_361 = tpu.memref_slice %arg6[%dma_wait3A_351, %dma_wait3A_359, %dma_wait3A_360] : memref<5x128x128xf32, #tpu.memory_space<vmem>> -> memref<1x128x128xf32, #tpu.memory_space<vmem>>
    %dma_wait3A_362 = tpu.memref_squeeze %dma_wait3A_361 : memref<1x128x128xf32, #tpu.memory_space<vmem>> -> memref<128x128xf32, #tpu.memory_space<vmem>>
    %dma_wait3A_363 = arith.constant 0 : i32
    %dma_wait3A_364 = arith.constant 0 : i32
    %dma_wait3A_365 = tpu.memref_slice %arg3[%dma_wait3A_363, %dma_wait3A_364] : memref<1000x128xf32, #tpu.memory_space<hbm>> -> memref<128x128xf32, #tpu.memory_space<hbm>>
    tpu.wait_dma2 semaphore(%arg8 : memref<!tpu.dma_semaphore, #tpu.memory_space<semaphore_mem>>) src(%dma_wait3A_365 : memref<128x128xf32, #tpu.memory_space<hbm>>) dst(%dma_wait3A_362 : memref<128x128xf32, #tpu.memory_space<vmem>>)
    %add3A_366 = arith.constant 5760 : i32
    %add3A_367 = arith.addi %mul3A_2, %add3A_366 : i32
    %dma_start3A_368 = arith.constant 0 : i32
    %dma_start3A_369 = arith.constant 0 : i32
    %dma_start3A_370 = arith.constant 0 : i32
    %dma_start3A_371 = tpu.memref_slice %arg6[%dma_start3A_368, %dma_start3A_369, %dma_start3A_370] : memref<5x128x128xf32, #tpu.memory_space<vmem>> -> memref<1x128x128xf32, #tpu.memory_space<vmem>>
    %dma_start3A_372 = tpu.memref_squeeze %dma_start3A_371 : memref<1x128x128xf32, #tpu.memory_space<vmem>> -> memref<128x128xf32, #tpu.memory_space<vmem>>
    %dma_start3A_373 = arith.constant 0 : i32
    %dma_start3A_374 = tpu.memref_slice %arg4[%add3A_367, %dma_start3A_373] : memref<204800x128xf32, #tpu.memory_space<hbm>> -> memref<128x128xf32, #tpu.memory_space<hbm>>
    %dma_start3A_375 = arith.constant 0 : i32
    %dma_start3A_376 = tpu.memref_slice %arg4[%add3A_367, %dma_start3A_375] : memref<204800x128xf32, #tpu.memory_space<hbm>> -> memref<128x128xf32, #tpu.memory_space<hbm>>
    %dma_start3A_377 = arith.constant 0 : i32
    %dma_start3A_378 = arith.constant 0 : i32
    %dma_start3A_379 = tpu.memref_slice %arg6[%dma_start3A_368, %dma_start3A_377, %dma_start3A_378] : memref<5x128x128xf32, #tpu.memory_space<vmem>> -> memref<1x128x128xf32, #tpu.memory_space<vmem>>
    %dma_start3A_380 = tpu.memref_squeeze %dma_start3A_379 : memref<1x128x128xf32, #tpu.memory_space<vmem>> -> memref<128x128xf32, #tpu.memory_space<vmem>>
    tpu.enqueue_dma source(%dma_start3A_380 : memref<128x128xf32, #tpu.memory_space<vmem>>) target(%dma_start3A_376 : memref<128x128xf32, #tpu.memory_space<hbm>>) target_semaphore(%arg13 : memref<!tpu.dma_semaphore, #tpu.memory_space<semaphore_mem>>)
    %dma_wait3A_381 = arith.constant 3 : i32
    %dma_wait3A_382 = arith.constant 0 : i32
    %dma_wait3A_383 = arith.constant 0 : i32
    %dma_wait3A_384 = tpu.memref_slice %arg6[%dma_wait3A_381, %dma_wait3A_382, %dma_wait3A_383] : memref<5x128x128xf32, #tpu.memory_space<vmem>> -> memref<1x128x128xf32, #tpu.memory_space<vmem>>
    %dma_wait3A_385 = tpu.memref_squeeze %dma_wait3A_384 : memref<1x128x128xf32, #tpu.memory_space<vmem>> -> memref<128x128xf32, #tpu.memory_space<vmem>>
    %dma_wait3A_386 = arith.constant 0 : i32
    %dma_wait3A_387 = tpu.memref_slice %arg4[%mul3A_2, %dma_wait3A_386] : memref<204800x128xf32, #tpu.memory_space<hbm>> -> memref<128x128xf32, #tpu.memory_space<hbm>>
    %dma_wait3A_388 = arith.constant 0 : i32
    %dma_wait3A_389 = tpu.memref_slice %arg4[%mul3A_2, %dma_wait3A_388] : memref<204800x128xf32, #tpu.memory_space<hbm>> -> memref<128x128xf32, #tpu.memory_space<hbm>>
    %dma_wait3A_390 = arith.constant 0 : i32
    %dma_wait3A_391 = arith.constant 0 : i32
    %dma_wait3A_392 = tpu.memref_slice %arg6[%dma_wait3A_381, %dma_wait3A_390, %dma_wait3A_391] : memref<5x128x128xf32, #tpu.memory_space<vmem>> -> memref<1x128x128xf32, #tpu.memory_space<vmem>>
    %dma_wait3A_393 = tpu.memref_squeeze %dma_wait3A_392 : memref<1x128x128xf32, #tpu.memory_space<vmem>> -> memref<128x128xf32, #tpu.memory_space<vmem>>
    tpu.wait_dma2 semaphore(%arg16 : memref<!tpu.dma_semaphore, #tpu.memory_space<semaphore_mem>>) src(%dma_wait3A_393 : memref<128x128xf32, #tpu.memory_space<vmem>>) dst(%dma_wait3A_389 : memref<128x128xf32, #tpu.memory_space<hbm>>)
    %dma_start3A_394 = arith.constant 3 : i32
    %dma_start3A_395 = arith.constant 0 : i32
    %dma_start3A_396 = arith.constant 0 : i32
    %dma_start3A_397 = tpu.memref_slice %arg6[%dma_start3A_394, %dma_start3A_395, %dma_start3A_396] : memref<5x128x128xf32, #tpu.memory_space<vmem>> -> memref<1x128x128xf32, #tpu.memory_space<vmem>>
    %dma_start3A_398 = tpu.memref_squeeze %dma_start3A_397 : memref<1x128x128xf32, #tpu.memory_space<vmem>> -> memref<128x128xf32, #tpu.memory_space<vmem>>
    %dma_start3A_399 = arith.constant 6144 : i32
    %dma_start3A_400 = tpu.memref_slice %arg5[%dma_start3A_399] : memref<6400xi32, #tpu.memory_space<vmem>> -> memref<128xi32, #tpu.memory_space<vmem>>
    %dma_start3A_401 = arith.constant 0 : i32
    %dma_start3A_402 = arith.constant 0 : i32
    %dma_start3A_403 = tpu.memref_slice %arg7[%dma_start3A_401, %dma_start3A_402] : memref<1008x128xf32, #tpu.memory_space<vmem_shared>> -> memref<1008x128xf32, #tpu.memory_space<vmem_shared>>
    tpu.enqueue_indirect_dma source(%dma_start3A_403 : memref<1008x128xf32, #tpu.memory_space<vmem_shared>>) target(%dma_start3A_398 : memref<128x128xf32, #tpu.memory_space<vmem>>) offsets(%dma_start3A_400 : memref<128xi32, #tpu.memory_space<vmem>>) semaphore(%arg11 : memref<!tpu.dma_semaphore, #tpu.memory_space<semaphore_mem>>)
    %dma_wait3A_404 = arith.constant 1 : i32
    %dma_wait3A_405 = arith.constant 0 : i32
    %dma_wait3A_406 = arith.constant 0 : i32
    %dma_wait3A_407 = tpu.memref_slice %arg6[%dma_wait3A_404, %dma_wait3A_405, %dma_wait3A_406] : memref<5x128x128xf32, #tpu.memory_space<vmem>> -> memref<1x128x128xf32, #tpu.memory_space<vmem>>
    %dma_wait3A_408 = tpu.memref_squeeze %dma_wait3A_407 : memref<1x128x128xf32, #tpu.memory_space<vmem>> -> memref<128x128xf32, #tpu.memory_space<vmem>>
    %dma_wait3A_409 = arith.constant 0 : i32
    %dma_wait3A_410 = arith.constant 0 : i32
    %dma_wait3A_411 = tpu.memref_slice %arg3[%dma_wait3A_409, %dma_wait3A_410] : memref<1000x128xf32, #tpu.memory_space<hbm>> -> memref<128x128xf32, #tpu.memory_space<hbm>>
    %dma_wait3A_412 = arith.constant 0 : i32
    %dma_wait3A_413 = arith.constant 0 : i32
    %dma_wait3A_414 = tpu.memref_slice %arg6[%dma_wait3A_404, %dma_wait3A_412, %dma_wait3A_413] : memref<5x128x128xf32, #tpu.memory_space<vmem>> -> memref<1x128x128xf32, #tpu.memory_space<vmem>>
    %dma_wait3A_415 = tpu.memref_squeeze %dma_wait3A_414 : memref<1x128x128xf32, #tpu.memory_space<vmem>> -> memref<128x128xf32, #tpu.memory_space<vmem>>
    %dma_wait3A_416 = arith.constant 0 : i32
    %dma_wait3A_417 = arith.constant 0 : i32
    %dma_wait3A_418 = tpu.memref_slice %arg3[%dma_wait3A_416, %dma_wait3A_417] : memref<1000x128xf32, #tpu.memory_space<hbm>> -> memref<128x128xf32, #tpu.memory_space<hbm>>
    tpu.wait_dma2 semaphore(%arg9 : memref<!tpu.dma_semaphore, #tpu.memory_space<semaphore_mem>>) src(%dma_wait3A_418 : memref<128x128xf32, #tpu.memory_space<hbm>>) dst(%dma_wait3A_415 : memref<128x128xf32, #tpu.memory_space<vmem>>)
    %add3A_419 = arith.constant 5888 : i32
    %add3A_420 = arith.addi %mul3A_2, %add3A_419 : i32
    %dma_start3A_421 = arith.constant 1 : i32
    %dma_start3A_422 = arith.constant 0 : i32
    %dma_start3A_423 = arith.constant 0 : i32
    %dma_start3A_424 = tpu.memref_slice %arg6[%dma_start3A_421, %dma_start3A_422, %dma_start3A_423] : memref<5x128x128xf32, #tpu.memory_space<vmem>> -> memref<1x128x128xf32, #tpu.memory_space<vmem>>
    %dma_start3A_425 = tpu.memref_squeeze %dma_start3A_424 : memref<1x128x128xf32, #tpu.memory_space<vmem>> -> memref<128x128xf32, #tpu.memory_space<vmem>>
    %dma_start3A_426 = arith.constant 0 : i32
    %dma_start3A_427 = tpu.memref_slice %arg4[%add3A_420, %dma_start3A_426] : memref<204800x128xf32, #tpu.memory_space<hbm>> -> memref<128x128xf32, #tpu.memory_space<hbm>>
    %dma_start3A_428 = arith.constant 0 : i32
    %dma_start3A_429 = tpu.memref_slice %arg4[%add3A_420, %dma_start3A_428] : memref<204800x128xf32, #tpu.memory_space<hbm>> -> memref<128x128xf32, #tpu.memory_space<hbm>>
    %dma_start3A_430 = arith.constant 0 : i32
    %dma_start3A_431 = arith.constant 0 : i32
    %dma_start3A_432 = tpu.memref_slice %arg6[%dma_start3A_421, %dma_start3A_430, %dma_start3A_431] : memref<5x128x128xf32, #tpu.memory_space<vmem>> -> memref<1x128x128xf32, #tpu.memory_space<vmem>>
    %dma_start3A_433 = tpu.memref_squeeze %dma_start3A_432 : memref<1x128x128xf32, #tpu.memory_space<vmem>> -> memref<128x128xf32, #tpu.memory_space<vmem>>
    tpu.enqueue_dma source(%dma_start3A_433 : memref<128x128xf32, #tpu.memory_space<vmem>>) target(%dma_start3A_429 : memref<128x128xf32, #tpu.memory_space<hbm>>) target_semaphore(%arg14 : memref<!tpu.dma_semaphore, #tpu.memory_space<semaphore_mem>>)
    %dma_wait3A_434 = arith.constant 4 : i32
    %dma_wait3A_435 = arith.constant 0 : i32
    %dma_wait3A_436 = arith.constant 0 : i32
    %dma_wait3A_437 = tpu.memref_slice %arg6[%dma_wait3A_434, %dma_wait3A_435, %dma_wait3A_436] : memref<5x128x128xf32, #tpu.memory_space<vmem>> -> memref<1x128x128xf32, #tpu.memory_space<vmem>>
    %dma_wait3A_438 = tpu.memref_squeeze %dma_wait3A_437 : memref<1x128x128xf32, #tpu.memory_space<vmem>> -> memref<128x128xf32, #tpu.memory_space<vmem>>
    %dma_wait3A_439 = arith.constant 0 : i32
    %dma_wait3A_440 = tpu.memref_slice %arg4[%mul3A_2, %dma_wait3A_439] : memref<204800x128xf32, #tpu.memory_space<hbm>> -> memref<128x128xf32, #tpu.memory_space<hbm>>
    %dma_wait3A_441 = arith.constant 0 : i32
    %dma_wait3A_442 = tpu.memref_slice %arg4[%mul3A_2, %dma_wait3A_441] : memref<204800x128xf32, #tpu.memory_space<hbm>> -> memref<128x128xf32, #tpu.memory_space<hbm>>
    %dma_wait3A_443 = arith.constant 0 : i32
    %dma_wait3A_444 = arith.constant 0 : i32
    %dma_wait3A_445 = tpu.memref_slice %arg6[%dma_wait3A_434, %dma_wait3A_443, %dma_wait3A_444] : memref<5x128x128xf32, #tpu.memory_space<vmem>> -> memref<1x128x128xf32, #tpu.memory_space<vmem>>
    %dma_wait3A_446 = tpu.memref_squeeze %dma_wait3A_445 : memref<1x128x128xf32, #tpu.memory_space<vmem>> -> memref<128x128xf32, #tpu.memory_space<vmem>>
    tpu.wait_dma2 semaphore(%arg17 : memref<!tpu.dma_semaphore, #tpu.memory_space<semaphore_mem>>) src(%dma_wait3A_446 : memref<128x128xf32, #tpu.memory_space<vmem>>) dst(%dma_wait3A_442 : memref<128x128xf32, #tpu.memory_space<hbm>>)
    %dma_start3A_447 = arith.constant 4 : i32
    %dma_start3A_448 = arith.constant 0 : i32
    %dma_start3A_449 = arith.constant 0 : i32
    %dma_start3A_450 = tpu.memref_slice %arg6[%dma_start3A_447, %dma_start3A_448, %dma_start3A_449] : memref<5x128x128xf32, #tpu.memory_space<vmem>> -> memref<1x128x128xf32, #tpu.memory_space<vmem>>
    %dma_start3A_451 = tpu.memref_squeeze %dma_start3A_450 : memref<1x128x128xf32, #tpu.memory_space<vmem>> -> memref<128x128xf32, #tpu.memory_space<vmem>>
    %dma_start3A_452 = arith.constant 6272 : i32
    %dma_start3A_453 = tpu.memref_slice %arg5[%dma_start3A_452] : memref<6400xi32, #tpu.memory_space<vmem>> -> memref<128xi32, #tpu.memory_space<vmem>>
    %dma_start3A_454 = arith.constant 0 : i32
    %dma_start3A_455 = arith.constant 0 : i32
    %dma_start3A_456 = tpu.memref_slice %arg7[%dma_start3A_454, %dma_start3A_455] : memref<1008x128xf32, #tpu.memory_space<vmem_shared>> -> memref<1008x128xf32, #tpu.memory_space<vmem_shared>>
    tpu.enqueue_indirect_dma source(%dma_start3A_456 : memref<1008x128xf32, #tpu.memory_space<vmem_shared>>) target(%dma_start3A_451 : memref<128x128xf32, #tpu.memory_space<vmem>>) offsets(%dma_start3A_453 : memref<128xi32, #tpu.memory_space<vmem>>) semaphore(%arg12 : memref<!tpu.dma_semaphore, #tpu.memory_space<semaphore_mem>>)
    %dma_wait3A_457 = arith.constant 2 : i32
    %dma_wait3A_458 = arith.constant 0 : i32
    %dma_wait3A_459 = arith.constant 0 : i32
    %dma_wait3A_460 = tpu.memref_slice %arg6[%dma_wait3A_457, %dma_wait3A_458, %dma_wait3A_459] : memref<5x128x128xf32, #tpu.memory_space<vmem>> -> memref<1x128x128xf32, #tpu.memory_space<vmem>>
    %dma_wait3A_461 = tpu.memref_squeeze %dma_wait3A_460 : memref<1x128x128xf32, #tpu.memory_space<vmem>> -> memref<128x128xf32, #tpu.memory_space<vmem>>
    %dma_wait3A_462 = arith.constant 0 : i32
    %dma_wait3A_463 = arith.constant 0 : i32
    %dma_wait3A_464 = tpu.memref_slice %arg3[%dma_wait3A_462, %dma_wait3A_463] : memref<1000x128xf32, #tpu.memory_space<hbm>> -> memref<128x128xf32, #tpu.memory_space<hbm>>
    %dma_wait3A_465 = arith.constant 0 : i32
    %dma_wait3A_466 = arith.constant 0 : i32
    %dma_wait3A_467 = tpu.memref_slice %arg6[%dma_wait3A_457, %dma_wait3A_465, %dma_wait3A_466] : memref<5x128x128xf32, #tpu.memory_space<vmem>> -> memref<1x128x128xf32, #tpu.memory_space<vmem>>
    %dma_wait3A_468 = tpu.memref_squeeze %dma_wait3A_467 : memref<1x128x128xf32, #tpu.memory_space<vmem>> -> memref<128x128xf32, #tpu.memory_space<vmem>>
    %dma_wait3A_469 = arith.constant 0 : i32
    %dma_wait3A_470 = arith.constant 0 : i32
    %dma_wait3A_471 = tpu.memref_slice %arg3[%dma_wait3A_469, %dma_wait3A_470] : memref<1000x128xf32, #tpu.memory_space<hbm>> -> memref<128x128xf32, #tpu.memory_space<hbm>>
    tpu.wait_dma2 semaphore(%arg10 : memref<!tpu.dma_semaphore, #tpu.memory_space<semaphore_mem>>) src(%dma_wait3A_471 : memref<128x128xf32, #tpu.memory_space<hbm>>) dst(%dma_wait3A_468 : memref<128x128xf32, #tpu.memory_space<vmem>>)
    %add3A_472 = arith.constant 6016 : i32
    %add3A_473 = arith.addi %mul3A_2, %add3A_472 : i32
    %dma_start3A_474 = arith.constant 2 : i32
    %dma_start3A_475 = arith.constant 0 : i32
    %dma_start3A_476 = arith.constant 0 : i32
    %dma_start3A_477 = tpu.memref_slice %arg6[%dma_start3A_474, %dma_start3A_475, %dma_start3A_476] : memref<5x128x128xf32, #tpu.memory_space<vmem>> -> memref<1x128x128xf32, #tpu.memory_space<vmem>>
    %dma_start3A_478 = tpu.memref_squeeze %dma_start3A_477 : memref<1x128x128xf32, #tpu.memory_space<vmem>> -> memref<128x128xf32, #tpu.memory_space<vmem>>
    %dma_start3A_479 = arith.constant 0 : i32
    %dma_start3A_480 = tpu.memref_slice %arg4[%add3A_473, %dma_start3A_479] : memref<204800x128xf32, #tpu.memory_space<hbm>> -> memref<128x128xf32, #tpu.memory_space<hbm>>
    %dma_start3A_481 = arith.constant 0 : i32
    %dma_start3A_482 = tpu.memref_slice %arg4[%add3A_473, %dma_start3A_481] : memref<204800x128xf32, #tpu.memory_space<hbm>> -> memref<128x128xf32, #tpu.memory_space<hbm>>
    %dma_start3A_483 = arith.constant 0 : i32
    %dma_start3A_484 = arith.constant 0 : i32
    %dma_start3A_485 = tpu.memref_slice %arg6[%dma_start3A_474, %dma_start3A_483, %dma_start3A_484] : memref<5x128x128xf32, #tpu.memory_space<vmem>> -> memref<1x128x128xf32, #tpu.memory_space<vmem>>
    %dma_start3A_486 = tpu.memref_squeeze %dma_start3A_485 : memref<1x128x128xf32, #tpu.memory_space<vmem>> -> memref<128x128xf32, #tpu.memory_space<vmem>>
    tpu.enqueue_dma source(%dma_start3A_486 : memref<128x128xf32, #tpu.memory_space<vmem>>) target(%dma_start3A_482 : memref<128x128xf32, #tpu.memory_space<hbm>>) target_semaphore(%arg15 : memref<!tpu.dma_semaphore, #tpu.memory_space<semaphore_mem>>)
    %dma_wait3A_487 = arith.constant 3 : i32
    %dma_wait3A_488 = arith.constant 0 : i32
    %dma_wait3A_489 = arith.constant 0 : i32
    %dma_wait3A_490 = tpu.memref_slice %arg6[%dma_wait3A_487, %dma_wait3A_488, %dma_wait3A_489] : memref<5x128x128xf32, #tpu.memory_space<vmem>> -> memref<1x128x128xf32, #tpu.memory_space<vmem>>
    %dma_wait3A_491 = tpu.memref_squeeze %dma_wait3A_490 : memref<1x128x128xf32, #tpu.memory_space<vmem>> -> memref<128x128xf32, #tpu.memory_space<vmem>>
    %dma_wait3A_492 = arith.constant 0 : i32
    %dma_wait3A_493 = arith.constant 0 : i32
    %dma_wait3A_494 = tpu.memref_slice %arg3[%dma_wait3A_492, %dma_wait3A_493] : memref<1000x128xf32, #tpu.memory_space<hbm>> -> memref<128x128xf32, #tpu.memory_space<hbm>>
    %dma_wait3A_495 = arith.constant 0 : i32
    %dma_wait3A_496 = arith.constant 0 : i32
    %dma_wait3A_497 = tpu.memref_slice %arg6[%dma_wait3A_487, %dma_wait3A_495, %dma_wait3A_496] : memref<5x128x128xf32, #tpu.memory_space<vmem>> -> memref<1x128x128xf32, #tpu.memory_space<vmem>>
    %dma_wait3A_498 = tpu.memref_squeeze %dma_wait3A_497 : memref<1x128x128xf32, #tpu.memory_space<vmem>> -> memref<128x128xf32, #tpu.memory_space<vmem>>
    %dma_wait3A_499 = arith.constant 0 : i32
    %dma_wait3A_500 = arith.constant 0 : i32
    %dma_wait3A_501 = tpu.memref_slice %arg3[%dma_wait3A_499, %dma_wait3A_500] : memref<1000x128xf32, #tpu.memory_space<hbm>> -> memref<128x128xf32, #tpu.memory_space<hbm>>
    tpu.wait_dma2 semaphore(%arg11 : memref<!tpu.dma_semaphore, #tpu.memory_space<semaphore_mem>>) src(%dma_wait3A_501 : memref<128x128xf32, #tpu.memory_space<hbm>>) dst(%dma_wait3A_498 : memref<128x128xf32, #tpu.memory_space<vmem>>)
    %add3A_502 = arith.constant 6144 : i32
    %add3A_503 = arith.addi %mul3A_2, %add3A_502 : i32
    %dma_start3A_504 = arith.constant 3 : i32
    %dma_start3A_505 = arith.constant 0 : i32
    %dma_start3A_506 = arith.constant 0 : i32
    %dma_start3A_507 = tpu.memref_slice %arg6[%dma_start3A_504, %dma_start3A_505, %dma_start3A_506] : memref<5x128x128xf32, #tpu.memory_space<vmem>> -> memref<1x128x128xf32, #tpu.memory_space<vmem>>
    %dma_start3A_508 = tpu.memref_squeeze %dma_start3A_507 : memref<1x128x128xf32, #tpu.memory_space<vmem>> -> memref<128x128xf32, #tpu.memory_space<vmem>>
    %dma_start3A_509 = arith.constant 0 : i32
    %dma_start3A_510 = tpu.memref_slice %arg4[%add3A_503, %dma_start3A_509] : memref<204800x128xf32, #tpu.memory_space<hbm>> -> memref<128x128xf32, #tpu.memory_space<hbm>>
    %dma_start3A_511 = arith.constant 0 : i32
    %dma_start3A_512 = tpu.memref_slice %arg4[%add3A_503, %dma_start3A_511] : memref<204800x128xf32, #tpu.memory_space<hbm>> -> memref<128x128xf32, #tpu.memory_space<hbm>>
    %dma_start3A_513 = arith.constant 0 : i32
    %dma_start3A_514 = arith.constant 0 : i32
    %dma_start3A_515 = tpu.memref_slice %arg6[%dma_start3A_504, %dma_start3A_513, %dma_start3A_514] : memref<5x128x128xf32, #tpu.memory_space<vmem>> -> memref<1x128x128xf32, #tpu.memory_space<vmem>>
    %dma_start3A_516 = tpu.memref_squeeze %dma_start3A_515 : memref<1x128x128xf32, #tpu.memory_space<vmem>> -> memref<128x128xf32, #tpu.memory_space<vmem>>
    tpu.enqueue_dma source(%dma_start3A_516 : memref<128x128xf32, #tpu.memory_space<vmem>>) target(%dma_start3A_512 : memref<128x128xf32, #tpu.memory_space<hbm>>) target_semaphore(%arg16 : memref<!tpu.dma_semaphore, #tpu.memory_space<semaphore_mem>>)
    %dma_wait3A_517 = arith.constant 4 : i32
    %dma_wait3A_518 = arith.constant 0 : i32
    %dma_wait3A_519 = arith.constant 0 : i32
    %dma_wait3A_520 = tpu.memref_slice %arg6[%dma_wait3A_517, %dma_wait3A_518, %dma_wait3A_519] : memref<5x128x128xf32, #tpu.memory_space<vmem>> -> memref<1x128x128xf32, #tpu.memory_space<vmem>>
    %dma_wait3A_521 = tpu.memref_squeeze %dma_wait3A_520 : memref<1x128x128xf32, #tpu.memory_space<vmem>> -> memref<128x128xf32, #tpu.memory_space<vmem>>
    %dma_wait3A_522 = arith.constant 0 : i32
    %dma_wait3A_523 = arith.constant 0 : i32
    %dma_wait3A_524 = tpu.memref_slice %arg3[%dma_wait3A_522, %dma_wait3A_523] : memref<1000x128xf32, #tpu.memory_space<hbm>> -> memref<128x128xf32, #tpu.memory_space<hbm>>
    %dma_wait3A_525 = arith.constant 0 : i32
    %dma_wait3A_526 = arith.constant 0 : i32
    %dma_wait3A_527 = tpu.memref_slice %arg6[%dma_wait3A_517, %dma_wait3A_525, %dma_wait3A_526] : memref<5x128x128xf32, #tpu.memory_space<vmem>> -> memref<1x128x128xf32, #tpu.memory_space<vmem>>
    %dma_wait3A_528 = tpu.memref_squeeze %dma_wait3A_527 : memref<1x128x128xf32, #tpu.memory_space<vmem>> -> memref<128x128xf32, #tpu.memory_space<vmem>>
    %dma_wait3A_529 = arith.constant 0 : i32
    %dma_wait3A_530 = arith.constant 0 : i32
    %dma_wait3A_531 = tpu.memref_slice %arg3[%dma_wait3A_529, %dma_wait3A_530] : memref<1000x128xf32, #tpu.memory_space<hbm>> -> memref<128x128xf32, #tpu.memory_space<hbm>>
    tpu.wait_dma2 semaphore(%arg12 : memref<!tpu.dma_semaphore, #tpu.memory_space<semaphore_mem>>) src(%dma_wait3A_531 : memref<128x128xf32, #tpu.memory_space<hbm>>) dst(%dma_wait3A_528 : memref<128x128xf32, #tpu.memory_space<vmem>>)
    %add3A_532 = arith.constant 6272 : i32
    %add3A_533 = arith.addi %mul3A_2, %add3A_532 : i32
    %dma_start3A_534 = arith.constant 4 : i32
    %dma_start3A_535 = arith.constant 0 : i32
    %dma_start3A_536 = arith.constant 0 : i32
    %dma_start3A_537 = tpu.memref_slice %arg6[%dma_start3A_534, %dma_start3A_535, %dma_start3A_536] : memref<5x128x128xf32, #tpu.memory_space<vmem>> -> memref<1x128x128xf32, #tpu.memory_space<vmem>>
    %dma_start3A_538 = tpu.memref_squeeze %dma_start3A_537 : memref<1x128x128xf32, #tpu.memory_space<vmem>> -> memref<128x128xf32, #tpu.memory_space<vmem>>
    %dma_start3A_539 = arith.constant 0 : i32
    %dma_start3A_540 = tpu.memref_slice %arg4[%add3A_533, %dma_start3A_539] : memref<204800x128xf32, #tpu.memory_space<hbm>> -> memref<128x128xf32, #tpu.memory_space<hbm>>
    %dma_start3A_541 = arith.constant 0 : i32
    %dma_start3A_542 = tpu.memref_slice %arg4[%add3A_533, %dma_start3A_541] : memref<204800x128xf32, #tpu.memory_space<hbm>> -> memref<128x128xf32, #tpu.memory_space<hbm>>
    %dma_start3A_543 = arith.constant 0 : i32
    %dma_start3A_544 = arith.constant 0 : i32
    %dma_start3A_545 = tpu.memref_slice %arg6[%dma_start3A_534, %dma_start3A_543, %dma_start3A_544] : memref<5x128x128xf32, #tpu.memory_space<vmem>> -> memref<1x128x128xf32, #tpu.memory_space<vmem>>
    %dma_start3A_546 = tpu.memref_squeeze %dma_start3A_545 : memref<1x128x128xf32, #tpu.memory_space<vmem>> -> memref<128x128xf32, #tpu.memory_space<vmem>>
    tpu.enqueue_dma source(%dma_start3A_546 : memref<128x128xf32, #tpu.memory_space<vmem>>) target(%dma_start3A_542 : memref<128x128xf32, #tpu.memory_space<hbm>>) target_semaphore(%arg17 : memref<!tpu.dma_semaphore, #tpu.memory_space<semaphore_mem>>)
    %dma_wait3A_547 = arith.constant 0 : i32
    %dma_wait3A_548 = arith.constant 0 : i32
    %dma_wait3A_549 = arith.constant 0 : i32
    %dma_wait3A_550 = tpu.memref_slice %arg6[%dma_wait3A_547, %dma_wait3A_548, %dma_wait3A_549] : memref<5x128x128xf32, #tpu.memory_space<vmem>> -> memref<1x128x128xf32, #tpu.memory_space<vmem>>
    %dma_wait3A_551 = tpu.memref_squeeze %dma_wait3A_550 : memref<1x128x128xf32, #tpu.memory_space<vmem>> -> memref<128x128xf32, #tpu.memory_space<vmem>>
    %dma_wait3A_552 = arith.constant 0 : i32
    %dma_wait3A_553 = tpu.memref_slice %arg4[%mul3A_2, %dma_wait3A_552] : memref<204800x128xf32, #tpu.memory_space<hbm>> -> memref<128x128xf32, #tpu.memory_space<hbm>>
    %dma_wait3A_554 = arith.constant 0 : i32
    %dma_wait3A_555 = tpu.memref_slice %arg4[%mul3A_2, %dma_wait3A_554] : memref<204800x128xf32, #tpu.memory_space<hbm>> -> memref<128x128xf32, #tpu.memory_space<hbm>>
    %dma_wait3A_556 = arith.constant 0 : i32
    %dma_wait3A_557 = arith.constant 0 : i32
    %dma_wait3A_558 = tpu.memref_slice %arg6[%dma_wait3A_547, %dma_wait3A_556, %dma_wait3A_557] : memref<5x128x128xf32, #tpu.memory_space<vmem>> -> memref<1x128x128xf32, #tpu.memory_space<vmem>>
    %dma_wait3A_559 = tpu.memref_squeeze %dma_wait3A_558 : memref<1x128x128xf32, #tpu.memory_space<vmem>> -> memref<128x128xf32, #tpu.memory_space<vmem>>
    tpu.wait_dma2 semaphore(%arg13 : memref<!tpu.dma_semaphore, #tpu.memory_space<semaphore_mem>>) src(%dma_wait3A_559 : memref<128x128xf32, #tpu.memory_space<vmem>>) dst(%dma_wait3A_555 : memref<128x128xf32, #tpu.memory_space<hbm>>)
    %dma_wait3A_560 = arith.constant 1 : i32
    %dma_wait3A_561 = arith.constant 0 : i32
    %dma_wait3A_562 = arith.constant 0 : i32
    %dma_wait3A_563 = tpu.memref_slice %arg6[%dma_wait3A_560, %dma_wait3A_561, %dma_wait3A_562] : memref<5x128x128xf32, #tpu.memory_space<vmem>> -> memref<1x128x128xf32, #tpu.memory_space<vmem>>
    %dma_wait3A_564 = tpu.memref_squeeze %dma_wait3A_563 : memref<1x128x128xf32, #tpu.memory_space<vmem>> -> memref<128x128xf32, #tpu.memory_space<vmem>>
    %dma_wait3A_565 = arith.constant 0 : i32
    %dma_wait3A_566 = tpu.memref_slice %arg4[%mul3A_2, %dma_wait3A_565] : memref<204800x128xf32, #tpu.memory_space<hbm>> -> memref<128x128xf32, #tpu.memory_space<hbm>>
    %dma_wait3A_567 = arith.constant 0 : i32
    %dma_wait3A_568 = tpu.memref_slice %arg4[%mul3A_2, %dma_wait3A_567] : memref<204800x128xf32, #tpu.memory_space<hbm>> -> memref<128x128xf32, #tpu.memory_space<hbm>>
    %dma_wait3A_569 = arith.constant 0 : i32
    %dma_wait3A_570 = arith.constant 0 : i32
    %dma_wait3A_571 = tpu.memref_slice %arg6[%dma_wait3A_560, %dma_wait3A_569, %dma_wait3A_570] : memref<5x128x128xf32, #tpu.memory_space<vmem>> -> memref<1x128x128xf32, #tpu.memory_space<vmem>>
    %dma_wait3A_572 = tpu.memref_squeeze %dma_wait3A_571 : memref<1x128x128xf32, #tpu.memory_space<vmem>> -> memref<128x128xf32, #tpu.memory_space<vmem>>
    tpu.wait_dma2 semaphore(%arg14 : memref<!tpu.dma_semaphore, #tpu.memory_space<semaphore_mem>>) src(%dma_wait3A_572 : memref<128x128xf32, #tpu.memory_space<vmem>>) dst(%dma_wait3A_568 : memref<128x128xf32, #tpu.memory_space<hbm>>)
    %dma_wait3A_573 = arith.constant 2 : i32
    %dma_wait3A_574 = arith.constant 0 : i32
    %dma_wait3A_575 = arith.constant 0 : i32
    %dma_wait3A_576 = tpu.memref_slice %arg6[%dma_wait3A_573, %dma_wait3A_574, %dma_wait3A_575] : memref<5x128x128xf32, #tpu.memory_space<vmem>> -> memref<1x128x128xf32, #tpu.memory_space<vmem>>
    %dma_wait3A_577 = tpu.memref_squeeze %dma_wait3A_576 : memref<1x128x128xf32, #tpu.memory_space<vmem>> -> memref<128x128xf32, #tpu.memory_space<vmem>>
    %dma_wait3A_578 = arith.constant 0 : i32
    %dma_wait3A_579 = tpu.memref_slice %arg4[%mul3A_2, %dma_wait3A_578] : memref<204800x128xf32, #tpu.memory_space<hbm>> -> memref<128x128xf32, #tpu.memory_space<hbm>>
    %dma_wait3A_580 = arith.constant 0 : i32
    %dma_wait3A_581 = tpu.memref_slice %arg4[%mul3A_2, %dma_wait3A_580] : memref<204800x128xf32, #tpu.memory_space<hbm>> -> memref<128x128xf32, #tpu.memory_space<hbm>>
    %dma_wait3A_582 = arith.constant 0 : i32
    %dma_wait3A_583 = arith.constant 0 : i32
    %dma_wait3A_584 = tpu.memref_slice %arg6[%dma_wait3A_573, %dma_wait3A_582, %dma_wait3A_583] : memref<5x128x128xf32, #tpu.memory_space<vmem>> -> memref<1x128x128xf32, #tpu.memory_space<vmem>>
    %dma_wait3A_585 = tpu.memref_squeeze %dma_wait3A_584 : memref<1x128x128xf32, #tpu.memory_space<vmem>> -> memref<128x128xf32, #tpu.memory_space<vmem>>
    tpu.wait_dma2 semaphore(%arg15 : memref<!tpu.dma_semaphore, #tpu.memory_space<semaphore_mem>>) src(%dma_wait3A_585 : memref<128x128xf32, #tpu.memory_space<vmem>>) dst(%dma_wait3A_581 : memref<128x128xf32, #tpu.memory_space<hbm>>)
    %dma_wait3A_586 = arith.constant 3 : i32
    %dma_wait3A_587 = arith.constant 0 : i32
    %dma_wait3A_588 = arith.constant 0 : i32
    %dma_wait3A_589 = tpu.memref_slice %arg6[%dma_wait3A_586, %dma_wait3A_587, %dma_wait3A_588] : memref<5x128x128xf32, #tpu.memory_space<vmem>> -> memref<1x128x128xf32, #tpu.memory_space<vmem>>
    %dma_wait3A_590 = tpu.memref_squeeze %dma_wait3A_589 : memref<1x128x128xf32, #tpu.memory_space<vmem>> -> memref<128x128xf32, #tpu.memory_space<vmem>>
    %dma_wait3A_591 = arith.constant 0 : i32
    %dma_wait3A_592 = tpu.memref_slice %arg4[%mul3A_2, %dma_wait3A_591] : memref<204800x128xf32, #tpu.memory_space<hbm>> -> memref<128x128xf32, #tpu.memory_space<hbm>>
    %dma_wait3A_593 = arith.constant 0 : i32
    %dma_wait3A_594 = tpu.memref_slice %arg4[%mul3A_2, %dma_wait3A_593] : memref<204800x128xf32, #tpu.memory_space<hbm>> -> memref<128x128xf32, #tpu.memory_space<hbm>>
    %dma_wait3A_595 = arith.constant 0 : i32
    %dma_wait3A_596 = arith.constant 0 : i32
    %dma_wait3A_597 = tpu.memref_slice %arg6[%dma_wait3A_586, %dma_wait3A_595, %dma_wait3A_596] : memref<5x128x128xf32, #tpu.memory_space<vmem>> -> memref<1x128x128xf32, #tpu.memory_space<vmem>>
    %dma_wait3A_598 = tpu.memref_squeeze %dma_wait3A_597 : memref<1x128x128xf32, #tpu.memory_space<vmem>> -> memref<128x128xf32, #tpu.memory_space<vmem>>
    tpu.wait_dma2 semaphore(%arg16 : memref<!tpu.dma_semaphore, #tpu.memory_space<semaphore_mem>>) src(%dma_wait3A_598 : memref<128x128xf32, #tpu.memory_space<vmem>>) dst(%dma_wait3A_594 : memref<128x128xf32, #tpu.memory_space<hbm>>)
    %dma_wait3A_599 = arith.constant 4 : i32
    %dma_wait3A_600 = arith.constant 0 : i32
    %dma_wait3A_601 = arith.constant 0 : i32
    %dma_wait3A_602 = tpu.memref_slice %arg6[%dma_wait3A_599, %dma_wait3A_600, %dma_wait3A_601] : memref<5x128x128xf32, #tpu.memory_space<vmem>> -> memref<1x128x128xf32, #tpu.memory_space<vmem>>
    %dma_wait3A_603 = tpu.memref_squeeze %dma_wait3A_602 : memref<1x128x128xf32, #tpu.memory_space<vmem>> -> memref<128x128xf32, #tpu.memory_space<vmem>>
    %dma_wait3A_604 = arith.constant 0 : i32
    %dma_wait3A_605 = tpu.memref_slice %arg4[%mul3A_2, %dma_wait3A_604] : memref<204800x128xf32, #tpu.memory_space<hbm>> -> memref<128x128xf32, #tpu.memory_space<hbm>>
    %dma_wait3A_606 = arith.constant 0 : i32
    %dma_wait3A_607 = tpu.memref_slice %arg4[%mul3A_2, %dma_wait3A_606] : memref<204800x128xf32, #tpu.memory_space<hbm>> -> memref<128x128xf32, #tpu.memory_space<hbm>>
    %dma_wait3A_608 = arith.constant 0 : i32
    %dma_wait3A_609 = arith.constant 0 : i32
    %dma_wait3A_610 = tpu.memref_slice %arg6[%dma_wait3A_599, %dma_wait3A_608, %dma_wait3A_609] : memref<5x128x128xf32, #tpu.memory_space<vmem>> -> memref<1x128x128xf32, #tpu.memory_space<vmem>>
    %dma_wait3A_611 = tpu.memref_squeeze %dma_wait3A_610 : memref<1x128x128xf32, #tpu.memory_space<vmem>> -> memref<128x128xf32, #tpu.memory_space<vmem>>
    tpu.wait_dma2 semaphore(%arg17 : memref<!tpu.dma_semaphore, #tpu.memory_space<semaphore_mem>>) src(%dma_wait3A_611 : memref<128x128xf32, #tpu.memory_space<vmem>>) dst(%dma_wait3A_607 : memref<128x128xf32, #tpu.memory_space<hbm>>)
    return
  }
}

</mosaic_0001>

<sc_bundles>
// kernel: kernel.3.cloned.1.call-start
scs
__scs_entry_jumppad:
0x0: {  	(pc) =	sbr.rel $0x88, $3  }
0x1: {  	(tag) =	ssettag $0x0;
	lr =	simm.s32 $0x1  }
0x2: {  	[smem:$0x3F9F] =	sst lr;
	_ =	strace $0xD0000000  }
0x3: {  	_ = 	snop  }
0x4: {  	_ = 	snop  }
0x5: {  	_ = 	snop  }
0x6: {  	_ = 	snop  }
0x7: {  	_ = 	snop  }
__scs_overlays_trampoline_lowered:
0x8: {  	[smem:$0x3FAE] =	sst s0  }
0x9: {  	[smem:$0x3FAF] =	sst s1  }
0xa: {  	[smem:$0x3FB0] =	sst s2  }
0xb: {  	[smem:$0x3FB1] =	sst s3  }
0xc: {  	[smem:$0x3FB2] =	sst s4  }
0xd: {  	[smem:$0x3FB3] =	sst s5  }
0xe: {  	[smem:$0x3FB4] =	sst s6  }
0xf: {  	[smem:$0x3FB5] =	sst s7  }
0x10: {  	[smem:$0x3FB6] =	sst s8  }
0x11: {  	[smem:$0x3FB7] =	sst s9;
	s0 =	simm.s32 @!p0 $0x0  }
0x12: {  	s1 =	sld [smem:$0x3F9D];
	s0 =	simm.s32 @p0 $0x1  }
0x13: {  	[smem:$0x3FB8] =	sst s0;
	s0 =	simm.s32 @!p1 $0x0  }
0x14: {  	s2 =	sld [smem:$0x3F9C];
	s0 =	simm.s32 @p1 $0x1  }
0x15: {  	[smem:$0x3FB9] =	sst s0;
	s0 =	simm.s32 @!p2 $0x0  }
0x16: {  	s3 =	sld [smem:$0x3FDB];
	s0 =	simm.s32 @p2 $0x1  }
0x17: {  	s4 =	simm.s32 $0x1BF5;
	[smem:$0x3FBB] =	sst s0  }
0x18: {  	s0 =	sld [smem:$0x3F9E];
	_ =	swait.ge [sflag:s4], $0x0  }
0x19: {  	s7 =	sld [smem:$0x3F9F]  }
0x1a: {  	s8 =	sadd.s32 $0xFFFFE003, lr  }
0x1b: {  	s9 =	sadd.s32 $0xFFFFFEF7, lr;
	s5 =	simm.s32 $0xFFFFFFFF;
	p2 =	slt.u32 s8, $0xFFFFF086  }
0x1c: {  	p1 =	slt.u32 s9, $0xF7A;
	s5 =	simm.s32 @!p2 $0x0  }
0x1d: {  	s5 =	simm.s32 @p1 $0x1;
	p0 =	seq.s32 s7, s2  }
0x1e: {  	s7 =	smul.u32 @!p0 $0xF7A, s2;
	p2 =	seq.s32 @!p0 s5, $0x0  }
0x1f: {  	s9 =	smul.u32 $0xF7A, s1;
	s8 =	simm.s32 @!p0 $0x1BF5;
	p2 =	por !p2, p0  }
0x20: {  	[sflag:s8] =	ssyncset.s32 @!p0 $0xFFFFF086;
	s6 =	sadd.s32 @!p0 s3, s7;
	s7 =	simm.s32 @!p0 $0x108  }
0x21: {  	s3 =	sadd.s32 s3, s9;
	s6 =	sadd.s32 @!p0 $0x88, s6;
	s7 =	simm.s32 @p2 $0x1082  }
0x22: {  	[simem:s7], [sflag:s8] =	dma.local @!p0 [hbm:s6], $0xF7A  }
0x23: {  	s9 =	sor.u32 $0xD0000000, s2;
	s6 =	simm.s32 $0x108;
	_ =	swait.ge @!p0 [sflag:s8], $0x0  }
0x24: {  	s3 =	sadd.s32 $0x88, s3;
	s6 =	simm.s32 @!p1 $0x1082;
	[sflag:s4] =	ssyncset.s32 $0xFFFFF086  }
0x25: {  	[simem:s6], [sflag:s4] =	dma.local [hbm:s3], $0xF7A  }
0x26: {  	[smem:$0x3F9F] =	sst s1;
	(tag) =	ssettag s2;
	_ =	strace s9  }
0x27: {  	s1 =	sld [smem:$0x3FAF]  }
0x28: {  	s2 =	sld [smem:$0x3FB0]  }
0x29: {  	s4 =	sld [smem:$0x3FB2]  }
0x2a: {  	p0 =	seq.s32 s5, $0x0;
	s5 =	sld [smem:$0x3FB3]  }
0x2b: {  	s6 =	sld [smem:$0x3FB4]  }
0x2c: {  	s7 =	sld [smem:$0x3FB5]  }
0x2d: {  	s3 =	simm.s32 $0x108;
	s8 =	sld [smem:$0x3FB6]  }
0x2e: {  	s3 =	simm.s32 @!p0 $0x1082;
	s9 =	sld [smem:$0x3FB7]  }
0x2f: {  	lr =	sadd.s32 s0, s3;
	s0 =	sld [smem:$0x3FAE]  }
0x30: {  	s3 =	sld [smem:$0x3FB1]  }
0x31: {  	[smem:$0x3FBA] =	sst s10  }
0x32: {  	s10 =	sld [smem:$0x3FB8];
	_ =	sdelay $0x3  }
0x33: {  	p0 =	seq.s32 s10, $0x1;
	s10 =	sld [smem:$0x3FBA];
	_ =	sdelay $0x3  }
0x34: {  	[smem:$0x3FBA] =	sst s10  }
0x35: {  	s10 =	sld [smem:$0x3FB9];
	_ =	sdelay $0x3  }
0x36: {  	p1 =	seq.s32 s10, $0x1;
	s10 =	sld [smem:$0x3FBA];
	_ =	sdelay $0x3  }
0x37: {  	[smem:$0x3FBA] =	sst s10  }
0x38: {  	s10 =	sld [smem:$0x3FBB]  }
0x39: {  	_ = 	snop;
	(pc) =	sbr.ind lr, $3  }
0x3a: {  	_ = 	snop  }
0x3b: {  	_ = 	snop  }
0x3c: {  	p2 =	seq.s32 s10, $0x1;
	s10 =	sld [smem:$0x3FBA]  }
0x3d: {  	_ =	shalt  }
0x3e: {  	_ =	shalt  }
0x3f: {  	_ =	shalt  }
0x40: {  	_ =	shalt  }
0x41: {  	_ =	shalt  }
0x42: {  	_ =	shalt  }
0x43: {  	_ =	shalt  }
0x44: {  	_ =	shalt  }
0x45: {  	_ =	shalt  }
0x46: {  	_ =	shalt  }
0x47: {  	_ =	shalt  }
0x48: {  	_ =	shalt  }
0x49: {  	_ =	shalt  }
0x4a: {  	_ =	shalt  }
0x4b: {  	_ =	shalt  }
0x4c: {  	_ =	shalt  }
0x4d: {  	_ =	shalt  }
0x4e: {  	_ =	shalt  }
0x4f: {  	_ =	shalt  }
0x50: {  	_ =	shalt  }
0x51: {  	_ =	shalt  }
0x52: {  	_ =	shalt  }
0x53: {  	_ =	shalt  }
0x54: {  	_ =	shalt  }
0x55: {  	_ =	shalt  }
0x56: {  	_ =	shalt  }
0x57: {  	_ =	shalt  }
0x58: {  	_ =	shalt  }
0x59: {  	_ =	shalt  }
0x5a: {  	_ =	shalt  }
0x5b: {  	_ =	shalt  }
0x5c: {  	_ =	shalt  }
0x5d: {  	_ =	shalt  }
0x5e: {  	_ =	shalt  }
0x5f: {  	_ =	shalt  }
0x60: {  	_ =	shalt  }
0x61: {  	_ =	shalt  }
0x62: {  	_ =	shalt  }
0x63: {  	_ =	shalt  }
0x64: {  	_ =	shalt  }
0x65: {  	_ =	shalt  }
0x66: {  	_ =	shalt  }
0x67: {  	_ =	shalt  }
0x68: {  	_ =	shalt  }
0x69: {  	_ =	shalt  }
0x6a: {  	_ =	shalt  }
0x6b: {  	_ =	shalt  }
0x6c: {  	_ =	shalt  }
0x6d: {  	_ =	shalt  }
0x6e: {  	_ =	shalt  }
0x6f: {  	_ =	shalt  }
0x70: {  	_ =	shalt  }
0x71: {  	_ =	shalt  }
0x72: {  	_ =	shalt  }
0x73: {  	_ =	shalt  }
0x74: {  	_ =	shalt  }
0x75: {  	_ =	shalt  }
0x76: {  	_ =	shalt  }
0x77: {  	_ =	shalt  }
0x78: {  	_ =	shalt  }
0x79: {  	_ =	shalt  }
0x7a: {  	_ =	shalt  }
0x7b: {  	_ =	shalt  }
0x7c: {  	_ =	shalt  }
0x7d: {  	_ =	shalt  }
0x7e: {  	_ =	shalt  }
0x7f: {  	_ =	shalt  }
0x80: {  	_ =	shalt  }
0x81: {  	_ =	shalt  }
0x82: {  	_ =	shalt  }
0x83: {  	_ =	shalt  }
0x84: {  	_ =	shalt  }
0x85: {  	_ =	shalt  }
0x86: {  	_ =	shalt  }
0x87: {  	_ =	shalt  }
.Lfunc_end0:
.L_simem_size_0:
called_computation_lowered:
.L_overlay_start_0:
0x88: {  	s2 =	sld [smem:$0x3FD9]  }
0x89: {  	s3 =	sld [smem:$0x3FFE];
	_ =	sdelay $0x1  }
0x8a: {  	s1 =	srdreg.scid  }
0x8b: {  	s0 =	sand.u32 $0x1, s1  }
0x8c: {  	s17 =	sshll.u32 s0, $0xA;
	s2 =	sadd.s32 s3, s2  }
0x8d: {  	s2 =	sadd.s32 s2, s17  }
0x8e: {  	[smem:$0x3FC6] =	sst s2  }
0x8f: {  	_ = 	snop  }
0x90: {  	s2 =	sld [smem:$0x3FC8]  }
0x91: {  	s18 =	sld [smem:$0x3FD0];
	(tm) =	ssettm $0x1  }
0x92: {  	s4 =	sld [smem:$0x3FFB];
	_ =	sdelay $0x3  }
0x93: {  	_ =	strace s4  }
0x94: {  	s4 =	sld [smem:$0x3FFC];
	_ =	sdelay $0x3  }
0x95: {  	_ =	strace s4  }
0x96: {  	s4 =	sld [smem:$0x3FFD];
	_ =	sdelay $0x3  }
0x97: {  	_ =	strace s4  }
0x98: {  	_ =	strace $0x8FFFFFFF  }
0x99: {  	s19 =	sld [smem:$0x3FDB];
	_ =	sdelay $0x1  }
0x9a: {  	s5 =	simm.s32 $_scs_section_size  }
0x9b: {  	s6 =	simm.s32 $_size__tile_overlayer_lowered;
	s7 =	simm.s32 $_tile_overlayer_lowered  }
0x9c: {  	s22 =	simm.s32 $0x1BFF;
	s21 =	sshll.u32 s7, $0x1;
	s4 =	sadd.s32 s5, s19  }
0x9d: {  	s8 =	simm.s32 $0x0;
	s20 =	sshll.u32 s6, $0x1;
	s6 =	sadd.s32 s21, s4  }
0x9e: {  	[timem:s8], [sflag:s22] =	dma.local [hbm:s6], s20  }
0x9f: {  	_ =	swait.ge [sflag:s22], s20  }
0xa0: {  	s5 =	ssub.s32 $0x0, s20;
	[sflag:s22] =	ssyncset.done $0x0  }
0xa1: {  	[sflag:s22] =	ssyncadd.s32 s5;
	_ =	sdelay $0x1  }
0xa2: {  	s23 =	simm.s32 $0x1B8B  }
0xa3: {  	_ =	swait.ge [sflag:s23], $0x1  }
0xa4: {  	[sflag:s23] =	ssyncset.done $0x0  }
0xa5: {  	s25 =	simm.s32 $0x1B8E;
	s24 =	sld [smem:$0x3FFE];
	[sflag:s23] =	ssyncadd.s32 $0xFFFFFFFF  }
0xa6: {  	s26 =	simm.s32 $execute0_lowered;
	[smem:$0x3FD2] =	sst s25  }
0xa7: {  	s6 =	sshll.u32 s26, $0x1;
	_ =	strace $0x80000046;
	[dreg:$0x1] =	wrdreg $0xFFFFFFFF  }
0xa8: {  	s28 =	simm.s32 $_size_execute0_lowered;
	s4 =	sadd.s32 s4, s6;
	[dreg:$0x0] =	wrdreg $0x0  }
0xa9: {  	s6 =	sshll.u32 s28, $0x1;
	[dreg:$0x2] =	wrdreg s4  }
0xaa: {  	[dreg:$0x3] =	wrdreg s6  }
0xab: {  	[dreg:$0x4] =	wrdreg $0xC0  }
0xac: {  	_ =	task [dreg:s8], $0x5FFFF  }
0xad: {  	[dreg:$0x1] =	wrdreg $0xFFFFFFFF  }
0xae: {  	[dreg:$0x0] =	wrdreg $0x60  }
0xaf: {  	[dreg:$0x2] =	wrdreg s24  }
0xb0: {  	[dreg:$0x3] =	wrdreg s2  }
0xb1: {  	[dreg:$0x4] =	wrdreg s18  }
0xb2: {  	[dreg:$0x5] =	wrdreg $0x159000  }
0xb3: {  	[dreg:$0x6] =	wrdreg $0x9  }
0xb4: {  	_ =	task.clear_ibuf [dreg:s8], $0x7FFFF;
	_ =	strace $0x90000046  }
0xb5: {  	s29 =	simm.s32 $0x9;
	_ =	strace $0x80000048  }
0xb6: {  	_ =	swait.ge [sflag:s29], $0x1  }
0xb7: {  	[sflag:s29] =	ssyncadd.s32 $0xFFFFFFFF  }
0xb8: {  	_ =	strace $0x90000048  }
0xb9: {  	_ =	sfence  }
0xba: {  	s30 =	sld [smem:$0x0];
	_ =	sdelay $0x2  }
0xbb: {  	s31 =	sshll.u32 s1, $0xD;
	s1 =	sshrl.u32 s1, $0x2  }
0xbc: {  	s3 =	sand.u32 $0x4000, s31;
	s1 =	sadd.s32 s1, s30  }
0xbd: {  	s0 =	sor.u32 s3, s0;
	s1 =	sshll.u32 s1, $0x11  }
0xbe: {  	s0 =	sor.u32 s1, s0  }
0xbf: {  	s0 =	sadd.s32 $0x8F2B, s0  }
0xc0: {  	[sflag:s0] =	ssyncadd.remote.s32 $0x1  }
0xc1: {  	_ =	sfence.sel $0xFFFF  }
0xc2: {  	[dreg:$0x0] =	wrdreg $0xFFFFFFFF;
	(pc) =	sbr.abs _section_cstart, $3  }
0xc3: {  	[dreg:$0x1] =	wrdreg $0xFFFFFFFF  }
0xc4: {  	_ =	task.clear_ibuf [dreg:s8], $0x2FFFF;
	_ =	strace $0x9FFFFFFF  }
0xc5: {  	(tm) =	ssettm $0x7FFFFFFF  }
tec
execute0_lowered:
.L_overlay_start_1:
0x0: {  	(tag) =	ssettag $0x1  }
0x1: {  	s23 =	stileid.u32  }
0x2: {  	p0 =	sgt.s32 s23, $0x3  }
0x3: {  	p2 =	sgt.s32 @p0 s23, $0x5  }
0x4: {  	p1 =	por !p2, !p0  }
0x5: {  	p3 =	seq.s32 @!p1 s23, $0x6  }
0x6: {  	p1 =	por @p0 !p3, !p2  }
0x7: {  	s21 =	rddreg [dreg:$0x0];
	s0 =	simm.s32 @!p1 $0x0  }
0x8: {  	p4 =	por p2, !p0;
	s0 =	simm.s32 @p1 $0x1;
	p1 =	por @p0 p3, !p2  }
0x9: {  	p4 =	seq.s32 @!p4 s23, $0x4;
	[smem:$0x7E1] =	sst s0;
	s0 =	simm.s32 @!p1 $0x0  }
0xa: {  	s24 =	rddreg [dreg:$0x1];
	s0 =	simm.s32 @p1 $0x1;
	p1 =	por @p0 !p4, p2  }
0xb: {  	p5 =	sgt.s32 @!p0 s23, $0x1;
	[smem:$0x7E2] =	sst s0;
	s0 =	simm.s32 @!p1 $0x0  }
0xc: {  	p6 =	por !p5, p0;
	s0 =	simm.s32 @p1 $0x1;
	p1 =	por p5, p0  }
0xd: {  	p6 =	seq.s32 @!p6 s23, $0x2;
	s17 =	sld [smem:$0x7E1];
	p1 =	seq.s32 @!p1 s23, $0x0  }
0xe: {  	p2 =	por @p0 p4, p2;
	s18 =	sld [smem:$0x7E2];
	p3 =	por @!p0 !p1, p5  }
0xf: {  	p4 =	por @!p0 !p6, !p5;
	[smem:$0x7E3] =	sst s0;
	s0 =	simm.s32 @!p3 $0x0  }
0x10: {  	p6 =	por @!p0 p6, !p5;
	s0 =	simm.s32 @p3 $0x1;
	p3 =	seq.s32 s17, $0x1  }
0x11: {  	p5 =	por @!p0 p1, p5;
	s19 =	sld [smem:$0x7E3];
	p1 =	por p3, !p0  }
0x12: {  	[smem:$0x7E4] =	sst s0;
	p3 =	seq.s32 s18, $0x1;
	s0 =	simm.s32 @!p1 $0x0  }
0x13: {  	s3 =	rddreg [dreg:$0x2];
	s0 =	simm.s32 @p1 $0x1;
	p1 =	por p3, !p0  }
0x14: {  	p3 =	seq.s32 s19, $0x1;
	[smem:$0x7E9] =	sst s0;
	s0 =	simm.s32 @!p1 $0x0  }
0x15: {  	s2 =	rddreg [dreg:$0x3];
	p3 =	por p3, !p0;
	s0 =	simm.s32 @p1 $0x1  }
0x16: {  	s22 =	srdreg.scid;
	[smem:$0x7EA] =	sst s0;
	s0 =	simm.s32 @!p3 $0x0  }
0x17: {  	s28 =	simm.s32 $0x6;
	p2 =	por p2, !p0;
	s0 =	simm.s32 @p3 $0x1  }
0x18: {  	s29 =	simm.s32 $0x4;
	[smem:$0x7EB] =	sst s0;
	s0 =	simm.s32 @!p2 $0x0  }
0x19: {  	s20 =	sld [smem:$0x7E4];
	p3 =	por p4, p0;
	s0 =	simm.s32 @p2 $0x1  }
0x1a: {  	s30 =	simm.s32 $0x5;
	[smem:$0x7EC] =	sst s0;
	s0 =	simm.s32 @!p3 $0x0  }
0x1b: {  	s31 =	simm.s32 $0x8;
	s0 =	simm.s32 @p3 $0x1;
	p3 =	por p6, p0  }
0x1c: {  	p6 =	seq.s32 s20, $0x1;
	[smem:$0x7ED] =	sst s0;
	s0 =	simm.s32 @!p3 $0x0  }
0x1d: {  	p1 =	sgt.s32 s23, $0xB;
	p4 =	por p6, p0;
	s0 =	simm.s32 @p3 $0x1  }
0x1e: {  	p2 =	sgt.s32 @p1 s23, $0xD;
	[smem:$0x7EE] =	sst s0;
	s0 =	simm.s32 @!p4 $0x0  }
0x1f: {  	p0 =	por p5, p0;
	p3 =	por !p2, !p1;
	s0 =	simm.s32 @p4 $0x1  }
0x20: {  	p3 =	seq.s32 @!p3 s23, $0xE;
	[smem:$0x7EF] =	sst s0;
	s0 =	simm.s32 @!p0 $0x0  }
0x21: {  	s4 =	sshll.u32 s23, $0x1;
	s0 =	simm.s32 @p0 $0x1;
	p0 =	por @p1 !p3, !p2  }
0x22: {  	s25 =	sshrl.u32 s23, $0x2;
	[smem:$0x7F0] =	sst s0;
	s0 =	simm.s32 @!p0 $0x0  }
0x23: {  	p4 =	por p2, !p1;
	s0 =	simm.s32 @p0 $0x1;
	p0 =	por @p1 p3, !p2  }
0x24: {  	p4 =	seq.s32 @!p4 s23, $0xC;
	[smem:$0x7E5] =	sst s0;
	s0 =	simm.s32 @!p0 $0x0  }
0x25: {  	s16 =	smul.u32 $0x32000, s23;
	s0 =	simm.s32 @p0 $0x1;
	p0 =	por @p1 !p4, p2  }
0x26: {  	s6 =	smul.u32 $0xC800, s25;
	[smem:$0x7E6] =	sst s0;
	s0 =	simm.s32 @!p0 $0x0  }
0x27: {  	p4 =	por @p1 p4, p2;
	s0 =	simm.s32 @p0 $0x1;
	p0 =	sgt.s32 @!p1 s23, $0x9  }
0x28: {  	s7 =	sld [smem:$0x7E5];
	p2 =	por !p0, p1;
	p5 =	por p0, p1  }
0x29: {  	s8 =	sld [smem:$0x7E6];
	p2 =	seq.s32 @!p2 s23, $0xA;
	p3 =	seq.s32 @!p5 s23, $0x8  }
0x2a: {  	p5 =	por @!p1 !p2, !p0;
	p6 =	por @!p1 p2, !p0;
	p2 =	por @!p1 !p3, p0  }
0x2b: {  	p4 =	por p4, !p1;
	[smem:$0x7E7] =	sst s0;
	s1 =	simm.s32 @!p2 $0x0  }
0x2c: {  	s9 =	sld [smem:$0x7E7];
	s1 =	simm.s32 @p2 $0x1;
	p2 =	por @!p1 p3, p0  }
0x2d: {  	p3 =	seq.s32 s7, $0x1;
	[smem:$0x7E8] =	sst s1;
	s1 =	sand.u32 $0x1, s22  }
0x2e: {  	p0 =	por p3, !p1;
	p3 =	seq.s32 s8, $0x1;
	s5 =	sor.u32 s1, s4  }
0x2f: {  	s7 =	simm.s32 @!p0 $0x0;
	s10 =	sld [smem:$0x7E8];
	s4 =	simm.s32 $0x0  }
0x30: {  	s12 =	ssub.s32 $0x2, s1;
	s1 =	smul.u32 $0x19000, s1;
	s26 =	sshll.u32 s5, $0x7  }
0x31: {  	s7 =	simm.s32 @p0 $0x1;
	p0 =	por p3, !p1;
	[smem:$0x7FF] =	sst s4  }
0x32: {  	[smem:$0x7F1] =	sst s7;
	s7 =	simm.s32 @!p0 $0x0;
	s11 =	sand.u32 $0x380, s26  }
0x33: {  	s13 =	smul.u32 $0xC8000, s5;
	s7 =	simm.s32 @p0 $0x1;
	s6 =	sor.u32 s6, s11  }
0x34: {  	s5 =	smul.u32 $0x19000, s5;
	[smem:$0x7F2] =	sst s7;
	s6 =	sshrl.u32 s6, $0x3  }
0x35: {  	s11 =	sshrl.u32 s13, $0x3;
	_ =	strace $0x80000047;
	s0 =	sadd.s32 s6, s21  }
0x36: {  	s6 =	sadd.s32 s3, s5;
	s0 =	sadd.s32 $0x400, s0;
	s5 =	sld [smem:$0x7E9]  }
0x37: {  	[dreg:$0x5] =	wrdreg s0;
	s0 =	sadd.s32 s3, s11;
	s3 =	sadd.s32 s16, s3  }
0x38: {  	s14 =	sadd.s32 $0x1000, s0;
	s1 =	sadd.s32 s1, s3;
	s3 =	sld [smem:$0x7F2]  }
0x39: {  	p5 =	por p5, p1;
	s15 =	sadd.s32 $0x15800, s0;
	[dreg:$0x6] =	wrdreg s14  }
0x3a: {  	p6 =	por p6, p1;
	s11 =	sadd.s32 $0x16000, s0;
	[dreg:$0x7] =	wrdreg s15  }
0x3b: {  	p3 =	seq.s32 s9, $0x1;
	s25 =	sadd.s32 $0x16800, s0;
	[dreg:$0x8] =	wrdreg s11  }
0x3c: {  	s8 =	sshrl.u32 s12, $0x1;
	s26 =	sadd.s32 $0x17000, s0;
	[dreg:$0x9] =	wrdreg s25  }
0x3d: {  	p3 =	por p3, !p1;
	s7 =	ssub.s32 s12, s8;
	[dreg:$0xa] =	wrdreg s26  }
0x3e: {  	p0 =	seq.s32 s10, $0x1;
	s15 =	smax.u32 s7, $0x1;
	s7 =	sld [smem:$0x7EA]  }
0x3f: {  	s10 =	sadd.s32 $0xC080, s2;
	p0 =	por p0, p1;
	s11 =	sld [smem:$0x7EC]  }
0x40: {  	p1 =	por p2, p1;
	s12 =	sadd.s32 $0x17800, s0;
	s25 =	sld [smem:$0x7EF]  }
0x41: {  	s13 =	sadd.s32 $0x18000, s0;
	s14 =	sadd.s32 $0x18800, s0;
	s26 =	sld [smem:$0x7F0]  }
0x42: {  	s16 =	sadd.s32 $0x2000, s1;
	p2 =	seq.s32 s5, $0x1;
	s1 =	sld [smem:$0x7F1]  }
0x43: {  	s5 =	sadd.s32 $0x3C00, s24;
	s0 =	sshrl.u32 @!p2 s10, $0x3;
	s10 =	sld [smem:$0x7EB]  }
0x44: {  	s17 =	sadd.s32 $0xA080, s2;
	s9 =	sadd.s32 $0xE080, s2;
	[dreg:$0x1b] =	wrdreg s5  }
0x45: {  	[dreg:$0xb] =	wrdreg s0;
	p2 =	seq.s32 s7, $0x1;
	s7 =	sadd.s32 $0x3800, s24  }
0x46: {  	s18 =	sadd.s32 $0x8080, s2;
	s0 =	sshrl.u32 @!p2 s9, $0x3;
	[dreg:$0x1c] =	wrdreg s7  }
0x47: {  	s19 =	sadd.s32 $0x6080, s2;
	p2 =	seq.s32 s10, $0x1;
	[dreg:$0xc] =	wrdreg s0  }
0x48: {  	s9 =	sadd.s32 $0x3000, s24;
	s0 =	sshrl.u32 @!p2 s18, $0x3;
	s18 =	sld [smem:$0x7ED]  }
0x49: {  	s20 =	sadd.s32 $0x4080, s2;
	s10 =	sadd.s32 $0x2C00, s24;
	[dreg:$0x1e] =	wrdreg s9  }
0x4a: {  	s22 =	sadd.s32 $0x80, s2;
	s8 =	sadd.s32 $0x1C080, s2;
	[dreg:$0x1f] =	wrdreg s10  }
0x4b: {  	p2 =	seq.s32 s11, $0x1;
	s11 =	sadd.s32 $0x2800, s24;
	[dreg:$0xd] =	wrdreg s0  }
0x4c: {  	s21 =	sadd.s32 $0x2080, s2;
	s0 =	sshrl.u32 @!p2 s17, $0x3;
	[smem:$0x7F4] =	sst s11  }
0x4d: {  	s5 =	simm.s32 $0xA;
	[dreg:$0xe] =	wrdreg s0;
	p2 =	seq.s32 s18, $0x1  }
0x4e: {  	s17 =	sadd.s32 $0x2400, s24;
	s0 =	sshrl.u32 @!p2 s20, $0x3;
	s20 =	sld [smem:$0x7EE]  }
0x4f: {  	s7 =	simm.s32 $0x0;
	[smem:$0x7F5] =	sst s17;
	s18 =	sadd.s32 $0x2000, s24  }
0x50: {  	s17 =	simm.s32 $0xB;
	[smem:$0x7F6] =	sst s18;
	s18 =	simm.s32 $0x1900  }
0x51: {  	[dreg:$0xf] =	wrdreg s0;
	p2 =	seq.s32 s20, $0x1;
	s20 =	sadd.s32 $0x1800, s24  }
0x52: {  	s0 =	sshrl.u32 @!p2 s19, $0x3;
	p2 =	seq.s32 s25, $0x1;
	[smem:$0x7F8] =	sst s20  }
0x53: {  	s19 =	sadd.s32 $0x1C00, s24;
	s25 =	sadd.s32 $0x800, s24;
	[dreg:$0x10] =	wrdreg s0  }
0x54: {  	s20 =	simm.s32 $0x11900;
	s0 =	sshrl.u32 @!p2 s22, $0x3;
	[smem:$0x7F7] =	sst s19  }
0x55: {  	p2 =	seq.s32 s26, $0x1;
	s22 =	sadd.s32 $0x1000, s24;
	[smem:$0x7FC] =	sst s25  }
0x56: {  	s26 =	sadd.s32 $0x400, s24;
	s19 =	simm.s32 $0x5900;
	[dreg:$0x11] =	wrdreg s0  }
0x57: {  	s0 =	sshrl.u32 @!p2 s21, $0x3;
	p2 =	seq.s32 s1, $0x1;
	[smem:$0x7FA] =	sst s22  }
0x58: {  	s25 =	simm.s32 $0x9;
	[dreg:$0x12] =	wrdreg s0;
	s0 =	sshrl.u32 @!p2 s8, $0x3  }
0x59: {  	p2 =	seq.s32 s3, $0x1;
	[dreg:$0x13] =	wrdreg s0;
	s0 =	sadd.s32 $0x1E080, s2  }
0x5a: {  	s1 =	sadd.s32 $0x18080, s2;
	[smem:$0x7FD] =	sst s26;
	s0 =	sshrl.u32 @!p2 s0, $0x3  }
0x5b: {  	s21 =	sadd.s32 $0x1400, s24;
	[dreg:$0x14] =	wrdreg s0;
	s0 =	sadd.s32 $0x1A080, s2  }
0x5c: {  	s26 =	simm.s32 $0x3;
	[smem:$0x7F9] =	sst s21;
	s0 =	sshrl.u32 @!p4 s0, $0x3  }
0x5d: {  	s1 =	sshrl.u32 @!p3 s1, $0x3;
	[dreg:$0x16] =	wrdreg s0;
	s0 =	sadd.s32 $0x14080, s2  }
0x5e: {  	s22 =	simm.s32 $0x7;
	[dreg:$0x15] =	wrdreg s1;
	s0 =	sshrl.u32 @!p5 s0, $0x3  }
0x5f: {  	s8 =	sadd.s32 $0x3400, s24;
	[dreg:$0x17] =	wrdreg s0;
	s0 =	sadd.s32 $0x16080, s2  }
0x60: {  	s1 =	sadd.s32 $0x10080, s2;
	[dreg:$0x1d] =	wrdreg s8;
	s0 =	sshrl.u32 @!p6 s0, $0x3  }
0x61: {  	s3 =	sadd.s32 $0x800, s6;
	[dreg:$0x18] =	wrdreg s0;
	s0 =	sshrl.u32 @!p0 s1, $0x3  }
0x62: {  	s21 =	simm.s32 $0x9900;
	[dreg:$0x19] =	wrdreg s0;
	s0 =	sadd.s32 $0x12080, s2  }
0x63: {  	p2 =	sgt.s32 s23, $0x7;
	s23 =	sadd.s32 $0xC00, s24;
	s0 =	sshrl.u32 @!p1 s0, $0x3  }
0x64: {  	s24 =	simm.s32 $0x2;
	[dreg:$0x1a] =	wrdreg s0;
	s0 =	simm.s32 @!p2 $0x0  }
0x65: {  	[smem:$0x7FB] =	sst s23;
	s23 =	simm.s32 $0xD900;
	s0 =	simm.s32 @p2 $0x1  }
0x66: {  	s1 =	simm.s32 $0x1;
	[smem:$0x7F3] =	sst s0;
	s0 =	simm.s32 $0x80  }
.LBB2_1:
0x67: {  	s8 =	sld [smem:$0x7F3];
	_ =	sdelay $0x2  }
0x68: {  	p2 =	seq.s32 s8, $0x1  }
.Ltmp0:
0x69: {  	_ = 	snop;
	(pc) =	sbr.rel @p2 .LBB2_3-.Ltmp0, $1  }
0x6a: {  	_ =	sdelay $0x3  }
0x6b: {  	s8 =	sld [smem:$0x7E9];
	_ =	sdelay $0x1  }
0x6c: {  	s10 =	sld [smem:$0x7F8]  }
0x6d: {  	p2 =	seq.s32 s8, $0x1  }
0x6e: {  	s9 =	rddreg [dreg:$0xb];
	s8 =	simm.s32 @!p2 $0x1D8B  }
0x6f: {  	[spmem:s9], [sflag:s8] =	dma.local @!p2 [hbm:s10], $0x400  }
0x70: {  	s8 =	simm.s32 @!p2 $0xB  }
0x71: {  	_ =	swait.ge @!p2 [sflag:s8], $0x400  }
0x72: {  	s11 =	sld [smem:$0x7EA];
	_ =	sdelay $0x1  }
0x73: {  	[sflag:s8] =	ssyncset.done @!p2 $0x0;
	s10 =	sld [smem:$0x7F7]  }
0x74: {  	[sflag:s8] =	ssyncadd.s32 @!p2 $0xFFFFFC00;
	p2 =	seq.s32 s11, $0x1  }
0x75: {  	s9 =	rddreg [dreg:$0xc];
	s8 =	simm.s32 @!p2 $0x1DCB  }
0x76: {  	[spmem:s9], [sflag:s8] =	dma.local @!p2 [hbm:s10], $0x400  }
0x77: {  	s8 =	simm.s32 @!p2 $0xB  }
0x78: {  	_ =	swait.ge @!p2 [sflag:s8], $0x400  }
0x79: {  	s9 =	sld [smem:$0x7EB];
	_ =	sdelay $0x1  }
0x7a: {  	[sflag:s8] =	ssyncset.done @!p2 $0x0;
	s10 =	sld [smem:$0x7FA]  }
0x7b: {  	[sflag:s8] =	ssyncadd.s32 @!p2 $0xFFFFFC00;
	p2 =	seq.s32 s9, $0x1  }
0x7c: {  	s9 =	rddreg [dreg:$0xd];
	s8 =	simm.s32 @!p2 $0x1D0B  }
0x7d: {  	[spmem:s9], [sflag:s8] =	dma.local @!p2 [hbm:s10], $0x400  }
0x7e: {  	s8 =	simm.s32 @!p2 $0xB  }
0x7f: {  	_ =	swait.ge @!p2 [sflag:s8], $0x400  }
0x80: {  	s10 =	sld [smem:$0x7EC];
	_ =	sdelay $0x1  }
0x81: {  	[sflag:s8] =	ssyncset.done @!p2 $0x0  }
0x82: {  	[sflag:s8] =	ssyncadd.s32 @!p2 $0xFFFFFC00;
	p2 =	seq.s32 s10, $0x1;
	s10 =	sld [smem:$0x7F9]  }
0x83: {  	_ = 	snop  }
0x84: {  	s9 =	rddreg [dreg:$0xe];
	s8 =	simm.s32 @!p2 $0x1D4B  }
0x85: {  	[spmem:s9], [sflag:s8] =	dma.local @!p2 [hbm:s10], $0x400  }
0x86: {  	s8 =	simm.s32 @!p2 $0xB  }
0x87: {  	_ =	swait.ge @!p2 [sflag:s8], $0x400  }
0x88: {  	s11 =	sld [smem:$0x7ED];
	_ =	sdelay $0x1  }
0x89: {  	[sflag:s8] =	ssyncset.done @!p2 $0x0;
	s10 =	sld [smem:$0x7FC]  }
0x8a: {  	[sflag:s8] =	ssyncadd.s32 @!p2 $0xFFFFFC00;
	p2 =	seq.s32 s11, $0x1  }
0x8b: {  	s9 =	rddreg [dreg:$0xf];
	s8 =	simm.s32 @!p2 $0x1C8B  }
0x8c: {  	[spmem:s9], [sflag:s8] =	dma.local @!p2 [hbm:s10], $0x400  }
0x8d: {  	s8 =	simm.s32 @!p2 $0xB  }
0x8e: {  	_ =	swait.ge @!p2 [sflag:s8], $0x400  }
0x8f: {  	s9 =	sld [smem:$0x7EE];
	_ =	sdelay $0x1  }
0x90: {  	[sflag:s8] =	ssyncset.done @!p2 $0x0;
	s10 =	sld [smem:$0x7FB]  }
0x91: {  	[sflag:s8] =	ssyncadd.s32 @!p2 $0xFFFFFC00;
	p2 =	seq.s32 s9, $0x1  }
0x92: {  	s9 =	rddreg [dreg:$0x10];
	s8 =	simm.s32 @!p2 $0x1CCB  }
0x93: {  	[spmem:s9], [sflag:s8] =	dma.local @!p2 [hbm:s10], $0x400  }
0x94: {  	s8 =	simm.s32 @!p2 $0xB  }
0x95: {  	_ =	swait.ge @!p2 [sflag:s8], $0x400  }
0x96: {  	s10 =	sld [smem:$0x7EF]  }
0x97: {  	[sflag:s8] =	ssyncset.done @!p2 $0x0  }
0x98: {  	[sflag:s8] =	ssyncadd.s32 @!p2 $0xFFFFFC00  }
0x99: {  	s9 =	rddreg [dreg:$0x1];
	p2 =	seq.s32 s10, $0x1  }
0x9a: {  	s10 =	rddreg [dreg:$0x11];
	s8 =	simm.s32 @!p2 $0x1C0B  }
0x9b: {  	[spmem:s10], [sflag:s8] =	dma.local @!p2 [hbm:s9], $0x400  }
0x9c: {  	s8 =	simm.s32 @!p2 $0xB  }
0x9d: {  	_ =	swait.ge @!p2 [sflag:s8], $0x400  }
0x9e: {  	s11 =	sld [smem:$0x7F0];
	_ =	sdelay $0x1  }
0x9f: {  	[sflag:s8] =	ssyncset.done @!p2 $0x0;
	s10 =	sld [smem:$0x7FD]  }
0xa0: {  	[sflag:s8] =	ssyncadd.s32 @!p2 $0xFFFFFC00;
	p2 =	seq.s32 s11, $0x1  }
0xa1: {  	s9 =	rddreg [dreg:$0x12];
	s8 =	simm.s32 @!p2 $0x1C4B  }
0xa2: {  	[spmem:s9], [sflag:s8] =	dma.local @!p2 [hbm:s10], $0x400  }
.Ltmp1:
0xa3: {  	_ = 	snop;
	(pc) =	sbr.rel .LBB2_4-.Ltmp1, $4  }
0xa4: {  	s8 =	simm.s32 @!p2 $0xB  }
0xa5: {  	_ =	swait.ge @!p2 [sflag:s8], $0x400  }
0xa6: {  	[sflag:s8] =	ssyncset.done @!p2 $0x0  }
0xa7: {  	[sflag:s8] =	ssyncadd.s32 @!p2 $0xFFFFFC00  }
.LBB2_3:
0xa8: {  	s8 =	sld [smem:$0x7F1];
	_ =	sdelay $0x2  }
0xa9: {  	s9 =	rddreg [dreg:$0x13];
	p2 =	seq.s32 s8, $0x1  }
0xaa: {  	s10 =	rddreg [dreg:$0x1c];
	s8 =	simm.s32 @!p2 $0x1F8B  }
0xab: {  	[spmem:s9], [sflag:s8] =	dma.local @!p2 [hbm:s10], $0x400  }
0xac: {  	s8 =	simm.s32 @!p2 $0xB  }
0xad: {  	_ =	swait.ge @!p2 [sflag:s8], $0x400  }
0xae: {  	s11 =	sld [smem:$0x7F2];
	_ =	sdelay $0x1  }
0xaf: {  	[sflag:s8] =	ssyncset.done @!p2 $0x0  }
0xb0: {  	s9 =	rddreg [dreg:$0x14];
	[sflag:s8] =	ssyncadd.s32 @!p2 $0xFFFFFC00;
	p2 =	seq.s32 s11, $0x1  }
0xb1: {  	s10 =	rddreg [dreg:$0x1b];
	s8 =	simm.s32 @!p2 $0x1FCB  }
0xb2: {  	[spmem:s9], [sflag:s8] =	dma.local @!p2 [hbm:s10], $0x280  }
0xb3: {  	s8 =	simm.s32 @!p2 $0xB  }
0xb4: {  	_ =	swait.ge @!p2 [sflag:s8], $0x280  }
0xb5: {  	[sflag:s8] =	ssyncset.done @!p2 $0x0;
	s9 =	rddreg [dreg:$0x15]  }
0xb6: {  	s10 =	rddreg [dreg:$0x1e];
	[sflag:s8] =	ssyncadd.s32 @!p2 $0xFFFFFD80;
	s8 =	simm.s32 @!p3 $0x1F0B  }
0xb7: {  	[spmem:s9], [sflag:s8] =	dma.local @!p3 [hbm:s10], $0x400  }
0xb8: {  	s8 =	simm.s32 @!p3 $0xB  }
0xb9: {  	_ =	swait.ge @!p3 [sflag:s8], $0x400  }
0xba: {  	[sflag:s8] =	ssyncset.done @!p3 $0x0;
	s9 =	rddreg [dreg:$0x16]  }
0xbb: {  	s10 =	rddreg [dreg:$0x1d];
	[sflag:s8] =	ssyncadd.s32 @!p3 $0xFFFFFC00;
	s8 =	simm.s32 @!p4 $0x1F4B  }
0xbc: {  	[spmem:s9], [sflag:s8] =	dma.local @!p4 [hbm:s10], $0x400  }
0xbd: {  	s8 =	simm.s32 @!p4 $0xB  }
0xbe: {  	_ =	swait.ge @!p4 [sflag:s8], $0x400  }
0xbf: {  	s10 =	sld [smem:$0x7F4]  }
0xc0: {  	[sflag:s8] =	ssyncset.done @!p4 $0x0  }
0xc1: {  	s9 =	rddreg [dreg:$0x17];
	[sflag:s8] =	ssyncadd.s32 @!p4 $0xFFFFFC00;
	s8 =	simm.s32 @!p5 $0x1E8B  }
0xc2: {  	[spmem:s9], [sflag:s8] =	dma.local @!p5 [hbm:s10], $0x400  }
0xc3: {  	s8 =	simm.s32 @!p5 $0xB  }
0xc4: {  	_ =	swait.ge @!p5 [sflag:s8], $0x400  }
0xc5: {  	[sflag:s8] =	ssyncset.done @!p5 $0x0;
	s9 =	rddreg [dreg:$0x18]  }
0xc6: {  	s10 =	rddreg [dreg:$0x1f];
	[sflag:s8] =	ssyncadd.s32 @!p5 $0xFFFFFC00;
	s8 =	simm.s32 @!p6 $0x1ECB  }
0xc7: {  	[spmem:s9], [sflag:s8] =	dma.local @!p6 [hbm:s10], $0x400  }
0xc8: {  	s8 =	simm.s32 @!p6 $0xB  }
0xc9: {  	_ =	swait.ge @!p6 [sflag:s8], $0x400  }
0xca: {  	s10 =	sld [smem:$0x7F6]  }
0xcb: {  	[sflag:s8] =	ssyncset.done @!p6 $0x0  }
0xcc: {  	s9 =	rddreg [dreg:$0x19];
	[sflag:s8] =	ssyncadd.s32 @!p6 $0xFFFFFC00;
	s8 =	simm.s32 @!p0 $0x1E0B  }
0xcd: {  	[spmem:s9], [sflag:s8] =	dma.local @!p0 [hbm:s10], $0x400  }
0xce: {  	s8 =	simm.s32 @!p0 $0xB  }
0xcf: {  	_ =	swait.ge @!p0 [sflag:s8], $0x400  }
0xd0: {  	s10 =	sld [smem:$0x7F5]  }
0xd1: {  	[sflag:s8] =	ssyncset.done @!p0 $0x0  }
0xd2: {  	s9 =	rddreg [dreg:$0x1a];
	[sflag:s8] =	ssyncadd.s32 @!p0 $0xFFFFFC00;
	s8 =	simm.s32 @!p1 $0x1E4B  }
0xd3: {  	[spmem:s9], [sflag:s8] =	dma.local @!p1 [hbm:s10], $0x400  }
0xd4: {  	s8 =	simm.s32 @!p1 $0xB  }
0xd5: {  	_ =	swait.ge @!p1 [sflag:s8], $0x400  }
0xd6: {  	[sflag:s8] =	ssyncset.done @!p1 $0x0  }
0xd7: {  	[sflag:s8] =	ssyncadd.s32 @!p1 $0xFFFFFC00  }
.LBB2_4:
0xd8: {  	s8 =	simm.s32 $0x0;
	s9 =	rddreg [dreg:$0x5];
	s10 =	simm.s32 $0x400  }
0xd9: {  	[tilespmem:s8], [sflag:$0xB] =	stream.strided.gather [hbm4b:s9+s0], $0x1900, s10, s0, $0x38;
	[tilespmem:$0x17880] =	vst v63  }
0xda: {  	_ =	swait.ge [sflag:s17], $0x1900  }
0xdb: {  	[sflag:s17] =	ssyncset.done $0x0  }
0xdc: {  	[sflag:s17] =	ssyncadd.s32 $0xFFFFE700  }
0xdd: {  	[bflag:$0x0] =	sbarrier.arrive $0xFFFF  }
0xde: {  	[tilespmem:s18], [sflag:$0x1] =	stream.indirect.gather [spmem:s2], $0x80, s8, s0, $0xb8;
	[tilespmem:$0x17880] =	vst v63  }
0xdf: {  	_ = 	snop  }
0xe0: {  	[tilespmem:s19], [sflag:$0x2] =	stream.indirect.gather [spmem:s2], $0x80, s0, s0, $0xb8;
	[tilespmem:$0x17880] =	vst v63  }
0xe1: {  	s10 =	simm.s32 $0x100  }
0xe2: {  	[tilespmem:s21], [sflag:$0x3] =	stream.indirect.gather [spmem:s2], $0x80, s10, s0, $0xb8;
	[tilespmem:$0x17880] =	vst v63  }
0xe3: {  	_ =	swait.ge [sflag:s1], $0x4000  }
0xe4: {  	[sflag:s1] =	ssyncset.done $0x0  }
0xe5: {  	[sflag:s1] =	ssyncadd.s32 $0xFFFFC000  }
0xe6: {  	[hbm4b:s6+s8] =	stream.linear.scatter [tilespmem:s18], [sflag:$0x6], $0x4000, $0x38;
	[tilespmem:$0x17880] =	vst v63  }
0xe7: {  	s11 =	simm.s32 $0x180  }
0xe8: {  	[tilespmem:s23], [sflag:$0x4] =	stream.indirect.gather [spmem:s2], $0x80, s11, s0, $0xb8;
	[tilespmem:$0x17880] =	vst v63  }
0xe9: {  	_ =	swait.ge [sflag:s24], $0x4000  }
0xea: {  	[sflag:s24] =	ssyncset.done $0x0  }
0xeb: {  	[sflag:s24] =	ssyncadd.s32 $0xFFFFC000  }
0xec: {  	[hbm4b:s3+s8] =	stream.linear.scatter [tilespmem:s19], [sflag:$0x7], $0x4000, $0x38;
	[tilespmem:$0x17880] =	vst v63  }
0xed: {  	s10 =	simm.s32 $0x200  }
0xee: {  	[tilespmem:s20], [sflag:$0x5] =	stream.indirect.gather [spmem:s2], $0x80, s10, s0, $0xb8;
	[tilespmem:$0x17880] =	vst v63  }
0xef: {  	_ =	swait.ge [sflag:s26], $0x4000  }
0xf0: {  	[sflag:s26] =	ssyncset.done $0x0  }
0xf1: {  	s11 =	rddreg [dreg:$0x6];
	[sflag:s26] =	ssyncadd.s32 $0xFFFFC000  }
0xf2: {  	[hbm4b:s11+s8] =	stream.linear.scatter [tilespmem:s21], [sflag:$0x8], $0x4000, $0x38;
	[tilespmem:$0x17880] =	vst v63  }
0xf3: {  	_ =	swait.ge [sflag:s28], $0x4000  }
0xf4: {  	[sflag:s28] =	ssyncset.done $0x0  }
0xf5: {  	s10 =	simm.s32 $0x280;
	[sflag:s28] =	ssyncadd.s32 $0xFFFFC000  }
0xf6: {  	[tilespmem:s18], [sflag:$0x1] =	stream.indirect.gather [spmem:s2], $0x80, s10, s0, $0xb8;
	[tilespmem:$0x17880] =	vst v63  }
0xf7: {  	_ =	swait.ge [sflag:s29], $0x4000  }
0xf8: {  	[sflag:s29] =	ssyncset.done $0x0  }
0xf9: {  	s11 =	sadd.s32 $0xFFFFF800, s16;
	[sflag:s29] =	ssyncadd.s32 $0xFFFFC000  }
0xfa: {  	[hbm4b:s11+s4] =	stream.linear.scatter [tilespmem:s23], [sflag:$0x9], $0x4000, $0x38;
	[tilespmem:$0x17880] =	vst v63  }
0xfb: {  	_ =	swait.ge [sflag:s22], $0x4000  }
0xfc: {  	[sflag:s22] =	ssyncset.done $0x0  }
0xfd: {  	s9 =	simm.s32 $0x300;
	[sflag:s22] =	ssyncadd.s32 $0xFFFFC000  }
0xfe: {  	[tilespmem:s19], [sflag:$0x2] =	stream.indirect.gather [spmem:s2], $0x80, s9, s0, $0xb8;
	[tilespmem:$0x17880] =	vst v63  }
0xff: {  	_ =	swait.ge [sflag:s30], $0x4000  }
0x100: {  	[sflag:s30] =	ssyncset.done $0x0  }
0x101: {  	[sflag:s30] =	ssyncadd.s32 $0xFFFFC000  }
0x102: {  	[hbm4b:s16+s4] =	stream.linear.scatter [tilespmem:s20], [sflag:$0xA], $0x4000, $0x38;
	[tilespmem:$0x17880] =	vst v63  }
0x103: {  	_ =	swait.ge [sflag:s31], $0x4000  }
0x104: {  	[sflag:s31] =	ssyncset.done $0x0  }
0x105: {  	s10 =	simm.s32 $0x380;
	[sflag:s31] =	ssyncadd.s32 $0xFFFFC000  }
0x106: {  	[tilespmem:s21], [sflag:$0x3] =	stream.indirect.gather [spmem:s2], $0x80, s10, s0, $0xb8;
	[tilespmem:$0x17880] =	vst v63  }
0x107: {  	_ =	swait.ge [sflag:s1], $0x4000  }
0x108: {  	[sflag:s1] =	ssyncset.done $0x0  }
0x109: {  	s11 =	sadd.s32 $0x800, s16;
	[sflag:s1] =	ssyncadd.s32 $0xFFFFC000  }
0x10a: {  	[hbm4b:s11+s4] =	stream.linear.scatter [tilespmem:s18], [sflag:$0x6], $0x4000, $0x38;
	[tilespmem:$0x17880] =	vst v63  }
0x10b: {  	_ =	swait.ge [sflag:s25], $0x4000  }
0x10c: {  	[sflag:s25] =	ssyncset.done $0x0  }
0x10d: {  	s9 =	simm.s32 $0x400;
	[sflag:s25] =	ssyncadd.s32 $0xFFFFC000  }
0x10e: {  	[tilespmem:s23], [sflag:$0x4] =	stream.indirect.gather [spmem:s2], $0x80, s9, s0, $0xb8;
	[tilespmem:$0x17880] =	vst v63  }
0x10f: {  	_ =	swait.ge [sflag:s24], $0x4000  }
0x110: {  	[sflag:s24] =	ssyncset.done $0x0  }
0x111: {  	s10 =	sadd.s32 $0x1000, s16;
	[sflag:s24] =	ssyncadd.s32 $0xFFFFC000  }
0x112: {  	[hbm4b:s10+s4] =	stream.linear.scatter [tilespmem:s19], [sflag:$0x7], $0x4000, $0x38;
	[tilespmem:$0x17880] =	vst v63  }
0x113: {  	_ =	swait.ge [sflag:s5], $0x4000  }
0x114: {  	[sflag:s5] =	ssyncset.done $0x0  }
0x115: {  	s11 =	simm.s32 $0x480;
	[sflag:s5] =	ssyncadd.s32 $0xFFFFC000  }
0x116: {  	[tilespmem:s20], [sflag:$0x5] =	stream.indirect.gather [spmem:s2], $0x80, s11, s0, $0xb8;
	[tilespmem:$0x17880] =	vst v63  }
0x117: {  	_ =	swait.ge [sflag:s26], $0x4000  }
0x118: {  	s8 =	simm.s32 $0xA00;
	[sflag:s26] =	ssyncset.done $0x0  }
0x119: {  	s9 =	sadd.s32 $0x2800, s16;
	s10 =	sadd.s32 $0x1800, s16;
	[sflag:s26] =	ssyncadd.s32 $0xFFFFC000  }
.LBB2_5:
0x11a: {  	[hbm4b:s10+s4] =	stream.linear.scatter [tilespmem:s21], [sflag:$0x8], $0x4000, $0x38;
	[tilespmem:$0x17880] =	vst v63  }
0x11b: {  	s10 =	smov.u32 s8  }
0x11c: {  	p2 =	sne.s32 s8, $0x4600;
	s8 =	sadd.s32 $0xA00, s8;
	_ =	swait.ge [sflag:s28], $0x4000  }
0x11d: {  	s10 =	sshra.s32 s10, $0x2;
	[sflag:s28] =	ssyncset.done $0x0  }
0x11e: {  	s11 =	sadd.s32 $0x280, s10;
	[sflag:s28] =	ssyncadd.s32 $0xFFFFC000  }
0x11f: {  	[tilespmem:s18], [sflag:$0x1] =	stream.indirect.gather [spmem:s2], $0x80, s11, s0, $0xb8;
	[tilespmem:$0x17880] =	vst v63  }
0x120: {  	_ =	swait.ge [sflag:s29], $0x4000  }
0x121: {  	[sflag:s29] =	ssyncset.done $0x0  }
0x122: {  	s11 =	sadd.s32 $0xFFFFF800, s9;
	[sflag:s29] =	ssyncadd.s32 $0xFFFFC000  }
0x123: {  	[hbm4b:s11+s4] =	stream.linear.scatter [tilespmem:s23], [sflag:$0x9], $0x4000, $0x38;
	[tilespmem:$0x17880] =	vst v63  }
0x124: {  	_ =	swait.ge [sflag:s22], $0x4000  }
0x125: {  	[sflag:s22] =	ssyncset.done $0x0  }
0x126: {  	s11 =	sadd.s32 $0x300, s10;
	[sflag:s22] =	ssyncadd.s32 $0xFFFFC000  }
0x127: {  	[tilespmem:s19], [sflag:$0x2] =	stream.indirect.gather [spmem:s2], $0x80, s11, s0, $0xb8;
	[tilespmem:$0x17880] =	vst v63  }
0x128: {  	_ =	swait.ge [sflag:s30], $0x4000  }
0x129: {  	[sflag:s30] =	ssyncset.done $0x0  }
0x12a: {  	[sflag:s30] =	ssyncadd.s32 $0xFFFFC000  }
0x12b: {  	[hbm4b:s9+s4] =	stream.linear.scatter [tilespmem:s20], [sflag:$0xA], $0x4000, $0x38;
	[tilespmem:$0x17880] =	vst v63  }
0x12c: {  	_ =	swait.ge [sflag:s31], $0x4000  }
0x12d: {  	[sflag:s31] =	ssyncset.done $0x0  }
0x12e: {  	s11 =	sadd.s32 $0x380, s10;
	[sflag:s31] =	ssyncadd.s32 $0xFFFFC000  }
0x12f: {  	[tilespmem:s21], [sflag:$0x3] =	stream.indirect.gather [spmem:s2], $0x80, s11, s0, $0xb8;
	[tilespmem:$0x17880] =	vst v63  }
0x130: {  	_ =	swait.ge [sflag:s1], $0x4000  }
0x131: {  	[sflag:s1] =	ssyncset.done $0x0  }
0x132: {  	s11 =	sadd.s32 $0x800, s9;
	[sflag:s1] =	ssyncadd.s32 $0xFFFFC000  }
0x133: {  	[hbm4b:s11+s4] =	stream.linear.scatter [tilespmem:s18], [sflag:$0x6], $0x4000, $0x38;
	[tilespmem:$0x17880] =	vst v63  }
0x134: {  	_ =	swait.ge [sflag:s25], $0x4000  }
0x135: {  	[sflag:s25] =	ssyncset.done $0x0  }
0x136: {  	s11 =	sadd.s32 $0x400, s10;
	[sflag:s25] =	ssyncadd.s32 $0xFFFFC000  }
0x137: {  	[tilespmem:s23], [sflag:$0x4] =	stream.indirect.gather [spmem:s2], $0x80, s11, s0, $0xb8;
	[tilespmem:$0x17880] =	vst v63  }
0x138: {  	_ =	swait.ge [sflag:s24], $0x4000  }
0x139: {  	[sflag:s24] =	ssyncset.done $0x0  }
0x13a: {  	s11 =	sadd.s32 $0x1000, s9;
	[sflag:s24] =	ssyncadd.s32 $0xFFFFC000  }
0x13b: {  	[hbm4b:s11+s4] =	stream.linear.scatter [tilespmem:s19], [sflag:$0x7], $0x4000, $0x38;
	[tilespmem:$0x17880] =	vst v63  }
0x13c: {  	_ =	swait.ge [sflag:s5], $0x4000  }
0x13d: {  	[sflag:s5] =	ssyncset.done $0x0  }
.Ltmp2:
0x13e: {  	s10 =	sadd.s32 $0x480, s10;
	[sflag:s5] =	ssyncadd.s32 $0xFFFFC000;
	(pc) =	sbr.rel @p2 .LBB2_5-.Ltmp2, $4  }
0x13f: {  	[tilespmem:s20], [sflag:$0x5] =	stream.indirect.gather [spmem:s2], $0x80, s10, s0, $0xb8;
	[tilespmem:$0x17880] =	vst v63  }
0x140: {  	_ =	swait.ge [sflag:s26], $0x4000  }
0x141: {  	[sflag:s26] =	ssyncset.done $0x0  }
0x142: {  	s10 =	sadd.s32 $0x1800, s9;
	s9 =	sadd.s32 $0x2800, s9;
	[sflag:s26] =	ssyncadd.s32 $0xFFFFC000  }
0x143: {  	[hbm4b:s10+s4] =	stream.linear.scatter [tilespmem:s21], [sflag:$0x8], $0x4000, $0x38;
	[tilespmem:$0x17880] =	vst v63  }
0x144: {  	_ =	swait.ge [sflag:s28], $0x4000  }
0x145: {  	[sflag:s28] =	ssyncset.done $0x0  }
0x146: {  	s8 =	simm.s32 $0x1680;
	[sflag:s28] =	ssyncadd.s32 $0xFFFFC000  }
0x147: {  	[tilespmem:s18], [sflag:$0x1] =	stream.indirect.gather [spmem:s2], $0x80, s8, s0, $0xb8;
	[tilespmem:$0x17880] =	vst v63  }
0x148: {  	_ =	swait.ge [sflag:s29], $0x4000  }
0x149: {  	[sflag:s29] =	ssyncset.done $0x0  }
0x14a: {  	s10 =	rddreg [dreg:$0x7];
	[sflag:s29] =	ssyncadd.s32 $0xFFFFC000  }
0x14b: {  	[hbm4b:s10+s4] =	stream.linear.scatter [tilespmem:s23], [sflag:$0x9], $0x4000, $0x38;
	[tilespmem:$0x17880] =	vst v63  }
0x14c: {  	_ =	swait.ge [sflag:s22], $0x4000  }
0x14d: {  	[sflag:s22] =	ssyncset.done $0x0  }
0x14e: {  	s11 =	simm.s32 $0x1700;
	[sflag:s22] =	ssyncadd.s32 $0xFFFFC000  }
0x14f: {  	[tilespmem:s19], [sflag:$0x2] =	stream.indirect.gather [spmem:s2], $0x80, s11, s0, $0xb8;
	[tilespmem:$0x17880] =	vst v63  }
0x150: {  	_ =	swait.ge [sflag:s30], $0x4000  }
0x151: {  	[sflag:s30] =	ssyncset.done $0x0  }
0x152: {  	s9 =	rddreg [dreg:$0x8];
	[sflag:s30] =	ssyncadd.s32 $0xFFFFC000  }
0x153: {  	[hbm4b:s9+s4] =	stream.linear.scatter [tilespmem:s20], [sflag:$0xA], $0x4000, $0x38;
	[tilespmem:$0x17880] =	vst v63  }
0x154: {  	_ =	swait.ge [sflag:s31], $0x4000  }
0x155: {  	[sflag:s31] =	ssyncset.done $0x0  }
0x156: {  	s10 =	simm.s32 $0x1780;
	[sflag:s31] =	ssyncadd.s32 $0xFFFFC000  }
0x157: {  	[tilespmem:s21], [sflag:$0x3] =	stream.indirect.gather [spmem:s2], $0x80, s10, s0, $0xb8;
	[tilespmem:$0x17880] =	vst v63  }
0x158: {  	_ =	swait.ge [sflag:s1], $0x4000  }
0x159: {  	[sflag:s1] =	ssyncset.done $0x0  }
0x15a: {  	s11 =	rddreg [dreg:$0x9];
	[sflag:s1] =	ssyncadd.s32 $0xFFFFC000  }
0x15b: {  	[hbm4b:s11+s4] =	stream.linear.scatter [tilespmem:s18], [sflag:$0x6], $0x4000, $0x38;
	[tilespmem:$0x17880] =	vst v63  }
0x15c: {  	_ =	swait.ge [sflag:s25], $0x4000  }
0x15d: {  	[sflag:s25] =	ssyncset.done $0x0  }
0x15e: {  	s9 =	simm.s32 $0x1800;
	[sflag:s25] =	ssyncadd.s32 $0xFFFFC000  }
0x15f: {  	[tilespmem:s23], [sflag:$0x4] =	stream.indirect.gather [spmem:s2], $0x80, s9, s0, $0xb8;
	[tilespmem:$0x17880] =	vst v63  }
0x160: {  	_ =	swait.ge [sflag:s24], $0x4000  }
0x161: {  	[sflag:s24] =	ssyncset.done $0x0  }
0x162: {  	s10 =	rddreg [dreg:$0xa];
	[sflag:s24] =	ssyncadd.s32 $0xFFFFC000  }
0x163: {  	[hbm4b:s10+s4] =	stream.linear.scatter [tilespmem:s19], [sflag:$0x7], $0x4000, $0x38;
	[tilespmem:$0x17880] =	vst v63  }
0x164: {  	_ =	swait.ge [sflag:s5], $0x4000  }
0x165: {  	[sflag:s5] =	ssyncset.done $0x0  }
0x166: {  	s11 =	simm.s32 $0x1880;
	[sflag:s5] =	ssyncadd.s32 $0xFFFFC000  }
0x167: {  	[tilespmem:s20], [sflag:$0x5] =	stream.indirect.gather [spmem:s2], $0x80, s11, s0, $0xb8;
	[tilespmem:$0x17880] =	vst v63  }
0x168: {  	_ =	swait.ge [sflag:s26], $0x4000  }
0x169: {  	[sflag:s26] =	ssyncset.done $0x0  }
0x16a: {  	[sflag:s26] =	ssyncadd.s32 $0xFFFFC000  }
0x16b: {  	[hbm4b:s12+s4] =	stream.linear.scatter [tilespmem:s21], [sflag:$0x8], $0x4000, $0x38;
	[tilespmem:$0x17880] =	vst v63  }
0x16c: {  	_ =	swait.ge [sflag:s29], $0x4000  }
0x16d: {  	[sflag:s29] =	ssyncset.done $0x0  }
0x16e: {  	[sflag:s29] =	ssyncadd.s32 $0xFFFFC000  }
0x16f: {  	[hbm4b:s13+s4] =	stream.linear.scatter [tilespmem:s23], [sflag:$0x9], $0x4000, $0x38;
	[tilespmem:$0x17880] =	vst v63  }
0x170: {  	_ =	swait.ge [sflag:s30], $0x4000  }
0x171: {  	[sflag:s30] =	ssyncset.done $0x0  }
0x172: {  	[sflag:s30] =	ssyncadd.s32 $0xFFFFC000  }
0x173: {  	[hbm4b:s14+s4] =	stream.linear.scatter [tilespmem:s20], [sflag:$0xA], $0x4000, $0x38;
	[tilespmem:$0x17880] =	vst v63  }
0x174: {  	_ =	swait.ge [sflag:s28], $0x4000  }
0x175: {  	[sflag:s28] =	ssyncset.done $0x0  }
0x176: {  	[sflag:s28] =	ssyncadd.s32 $0xFFFFC000  }
0x177: {  	_ =	swait.ge [sflag:s22], $0x4000  }
0x178: {  	[sflag:s22] =	ssyncset.done $0x0  }
0x179: {  	[sflag:s22] =	ssyncadd.s32 $0xFFFFC000  }
0x17a: {  	_ =	swait.ge [sflag:s31], $0x4000  }
0x17b: {  	[sflag:s31] =	ssyncset.done $0x0  }
0x17c: {  	s7 =	sadd.s32 $0x1, s7;
	[sflag:s31] =	ssyncadd.s32 $0xFFFFC000  }
0x17d: {  	p2 =	sne.s32 s7, s15;
	_ =	swait.ge [sflag:s25], $0x4000  }
.Ltmp3:
0x17e: {  	[sflag:s25] =	ssyncset.done $0x0;
	(pc) =	sbr.rel @p2 .LBB2_1-.Ltmp3, $4  }
0x17f: {  	[sflag:s25] =	ssyncadd.s32 $0xFFFFC000  }
0x180: {  	_ =	swait.ge [sflag:s5], $0x4000  }
0x181: {  	[sflag:s5] =	ssyncset.done $0x0  }
0x182: {  	[sflag:s5] =	ssyncadd.s32 $0xFFFFC000  }
0x183: {  	_ =	sfence.sel $0x180000  }
0x184: {  	[bflag:$0x0] =	sbarrier.arrive $0xFFFF  }
0x185: {  	_ =	strace $0x90000047  }
0x186: {  	s0 =	stileid.u32;
	[bflag:$0x2] =	sbarrier.arrive $0xFFFF  }
0x187: {  	p0 =	sne.s32 s0, $0x0;
	s0 =	rddreg [dreg:$0x4]  }
0x188: {  	s0 =	sadd.s32 @!p0 $0x100000, s0  }
0x189: {  	[sflag:s0] =	ssyncadd.tile.s32 @!p0 $0x1;
	_ =	shalt  }
.Lfunc_end2:
_tile_overlayer_lowered:
.L_overlay_start_2:
0x18a: {  	(tag) =	ssettag $0x2  }
0x18b: {  	s0 =	rddreg [dreg:$0x0];
	s2 =	stileid.u32  }
0x18c: {  	s1 =	rddreg [dreg:$0x1];
	p0 =	sne.s32 s2, $0x0  }
0x18d: {  	s3 =	rddreg [dreg:$0x2];
	[bflag:$0x3] =	sbarrier.arrive $0xFFFF;
	s2 =	simm.s32 @!p0 $0x1C0B  }
0x18e: {  	[timem:s3], [sflag:s2] =	dma.local @!p0 [hbm:s0], s1  }
0x18f: {  	s0 =	simm.s32 @!p0 $0xB  }
0x190: {  	_ =	swait.ge @!p0 [sflag:s0], s1  }
0x191: {  	s1 =	ssub.s32 @!p0 $0x0, s1;
	[sflag:s0] =	ssyncset.done @!p0 $0x0  }
0x192: {  	[sflag:s0] =	ssyncadd.s32 @!p0 s1  }
0x193: {  	[bflag:$0x3] =	sbarrier.arrive $0xFFFF  }
0x194: {  	_ =	shalt  }

</sc_bundles>
